<compile_context>
chip_gen: v7x
topology: tpu7x:2x2x1
jax: 0.10.2.dev20260603
libtpu: 0.0.44.dev20260713+nightly
codegen_flags: <defaults>
</compile_context>

<pallas_src>
import functools

import jax
import jax.numpy as jnp
import numpy as np
from jax import lax
from jax.experimental import pallas as pl
from jax.experimental.pallas import tpu as pltpu
from jax.experimental.pallas import tpu_sc as plsc

LEVELS = 16
TABLE_SIZE = 16384
FEATURES = 2
MINRES = (16, 16)
MAXRES = (512, 512)
_PRIME_Y = 2654435761

L = 16
P_CHUNK = 4096


def _level_resolutions(levels, minres, maxres):
    minres = np.asarray(minres, dtype=np.float64)
    maxres = np.asarray(maxres, dtype=np.float64)
    if levels > 1:
        b = np.exp((np.log(maxres) - np.log(minres)) / (levels - 1))
    else:
        b = np.ones_like(minres)
    return [tuple(int(np.round(minres[d] * (b[d] ** l)))
                  for d in range(minres.shape[0]))
            for l in range(levels)]


def _build_params():
    res = _level_resolutions(LEVELS, MINRES, MAXRES)
    return np.asarray([[r[0] - 1, r[1] - 1] for r in res],
                      dtype=np.float32).reshape(-1)


_PARAMS = _build_params()


def _make_sc_call(n_points):
    n_half = n_points // 2
    n_chunks = n_half // P_CHUNK
    assert n_chunks * P_CHUNK == n_half and n_chunks % 2 == 0

    mesh = plsc.VectorSubcoreMesh(core_axis_name="c", subcore_axis_name="s")

    @functools.partial(
        pl.kernel,
        mesh=mesh,
        compiler_params=pltpu.CompilerParams(
            needs_layout_passes=False,
            use_tc_tiling_on_sc=False,
        ),
        out_type=jax.ShapeDtypeStruct((2 * LEVELS, n_points), jnp.float32),
        scratch_types=[
            pltpu.VMEM((2 * LEVELS,), jnp.float32),
            pltpu.VMEM((MINRES[0] * MINRES[1],), jnp.float32),
            pltpu.VMEM((MINRES[0] * MINRES[1],), jnp.float32),
            pltpu.VMEM((TABLE_SIZE,), jnp.float32),
            pltpu.VMEM((TABLE_SIZE,), jnp.float32),
        ] + [pltpu.VMEM((P_CHUNK,), jnp.float32)] * 8
          + [pltpu.SemaphoreType.DMA] * 4,
    )
    def sc_forward(coords_hbm, params_hbm, dense_hbm, hash_hbm, out_hbm,
                   params_v, d0_v, d1_v, t0_v, t1_v,
                   xb0, yb0, f0b0, f1b0, xb1, yb1, f0b1, f1b1,
                   in_sem0, in_sem1, out_sem0, out_sem1):
        s_idx = lax.axis_index("s")
        c_idx = lax.axis_index("c")
        base = c_idx * n_half

        bufs = ((xb0, yb0, f0b0, f1b0, in_sem0, out_sem0),
                (xb1, yb1, f0b1, f1b1, in_sem1, out_sem1))

        def in_start(k, b):
            pt0 = base + k * P_CHUNK
            pltpu.async_copy(coords_hbm.at[0, pl.ds(pt0, P_CHUNK)], b[0], b[4])
            pltpu.async_copy(coords_hbm.at[1, pl.ds(pt0, P_CHUNK)], b[1], b[4])

        def in_wait(k, b):
            pt0 = base + k * P_CHUNK
            pltpu.make_async_copy(
                coords_hbm.at[0, pl.ds(pt0, P_CHUNK)], b[0], b[4]).wait()
            pltpu.make_async_copy(
                coords_hbm.at[1, pl.ds(pt0, P_CHUNK)], b[1], b[4]).wait()

        def out_start(k, b):
            pt0 = base + k * P_CHUNK
            pltpu.async_copy(b[2], out_hbm.at[2 * s_idx, pl.ds(pt0, P_CHUNK)], b[5])
            pltpu.async_copy(b[3], out_hbm.at[2 * s_idx + 1, pl.ds(pt0, P_CHUNK)], b[5])

        def out_wait(k, b):
            pt0 = base + k * P_CHUNK
            pltpu.make_async_copy(
                b[2], out_hbm.at[2 * s_idx, pl.ds(pt0, P_CHUNK)], b[5]).wait()
            pltpu.make_async_copy(
                b[3], out_hbm.at[2 * s_idx + 1, pl.ds(pt0, P_CHUNK)], b[5]).wait()

        in_start(0, bufs[0])
        in_start(1, bufs[1])

        pltpu.sync_copy(params_hbm, params_v)

        @pl.when(s_idx == 0)
        def _():
            pltpu.sync_copy(dense_hbm.at[0], d0_v)
            pltpu.sync_copy(dense_hbm.at[1], d1_v)

        @pl.when(s_idx > 0)
        def _():
            pltpu.sync_copy(hash_hbm.at[s_idx - 1, 0], t0_v)
            pltpu.sync_copy(hash_hbm.at[s_idx - 1, 1], t1_v)

        splat_s2 = jnp.full((L,), 2 * s_idx, jnp.int32)
        sxv = plsc.load_gather(params_v, [splat_s2])
        syv = plsc.load_gather(params_v, [splat_s2 + 1])
        rxm1 = sxv.astype(jnp.int32)
        rym1 = syv.astype(jnp.int32)

        def run(dense):
            p0_v = d0_v if dense else t0_v
            p1_v = d1_v if dense else t1_v

            def compute_chunk(b):
                xb, yb, f0b, f1b = b[0], b[1], b[2], b[3]

                @plsc.parallel_loop(0, P_CHUNK, step=L, unroll=2)
                def grp(off_i):
                    off = pl.multiple_of(off_i, L)
                    x = xb[pl.ds(off, L)] * sxv
                    y = yb[pl.ds(off, L)] * syv
                    ix0 = x.astype(jnp.int32)
                    iy0 = y.astype(jnp.int32)
                    fx = x - ix0.astype(jnp.float32)
                    fy = y - iy0.astype(jnp.float32)
                    if dense:
                        ix1 = jnp.minimum(ix0 + 1, rxm1)
                        iy1 = jnp.minimum(iy0 + 1, rym1)
                        h00 = ix0 * MINRES[1] + iy0
                        h01 = ix0 * MINRES[1] + iy1
                        h10 = ix1 * MINRES[1] + iy0
                        h11 = ix1 * MINRES[1] + iy1
                    else:
                        ix1 = ix0 + 1
                        iy1 = iy0 + 1
                        prime = jnp.uint32(_PRIME_Y)
                        mask = jnp.uint32(TABLE_SIZE - 1)
                        xu0 = ix0.astype(jnp.uint32)
                        xu1 = ix1.astype(jnp.uint32)
                        yu0 = iy0.astype(jnp.uint32) * prime
                        yu1 = iy1.astype(jnp.uint32) * prime
                        h00 = ((xu0 ^ yu0) & mask).astype(jnp.int32)
                        h01 = ((xu0 ^ yu1) & mask).astype(jnp.int32)
                        h10 = ((xu1 ^ yu0) & mask).astype(jnp.int32)
                        h11 = ((xu1 ^ yu1) & mask).astype(jnp.int32)
                    v00a = plsc.load_gather(p0_v, [h00])
                    v01a = plsc.load_gather(p0_v, [h01])
                    v10a = plsc.load_gather(p0_v, [h10])
                    v11a = plsc.load_gather(p0_v, [h11])
                    v00b = plsc.load_gather(p1_v, [h00])
                    v01b = plsc.load_gather(p1_v, [h01])
                    v10b = plsc.load_gather(p1_v, [h10])
                    v11b = plsc.load_gather(p1_v, [h11])
                    va0 = v00a + fy * (v01a - v00a)
                    va1 = v10a + fy * (v11a - v10a)
                    vb0 = v00b + fy * (v01b - v00b)
                    vb1 = v10b + fy * (v11b - v10b)
                    f0b[pl.ds(off, L)] = va0 + fx * (va1 - va0)
                    f1b[pl.ds(off, L)] = vb0 + fx * (vb1 - vb0)

            n_pairs = n_chunks // 2

            def pair_body(k2, carry):
                k = k2 * 2
                for half in (0, 1):
                    b = bufs[half]
                    kk = k + half
                    in_wait(kk, b)

                    @pl.when(k2 > 0)
                    def _():
                        out_wait(kk, b)

                    compute_chunk(b)
                    out_start(kk, b)

                    @pl.when(k2 < n_pairs - 1)
                    def _():
                        in_start(kk + 2, b)
                return carry

            lax.fori_loop(0, n_pairs, pair_body, 0)
            out_wait(0, bufs[0])
            out_wait(0, bufs[1])

        @pl.when(s_idx == 0)
        def _():
            run(True)

        @pl.when(s_idx > 0)
        def _():
            run(False)

    return sc_forward


def kernel(coords, dense_table, hash_tables):
    n_points = coords.shape[1]
    sc_forward = _make_sc_call(n_points)
    params = jnp.asarray(_PARAMS)
    dense_planes = jnp.moveaxis(dense_table.reshape(-1, FEATURES), -1, 0)
    hash_planes = jnp.moveaxis(hash_tables, -1, 1)
    out32 = sc_forward(coords, params, dense_planes, hash_planes)
    return out32.T

# --- scband reference (transcript-rebuilt; emitter-appended) ---
"""Pipeline reference for scband-multi-res-encoding-23313082483304 (READ-ONLY COPY).

The authoritative reference and input builder live on the scoring server;
editing this copy changes nothing except your own understanding.
"""

import jax, jax.numpy as jnp
import numpy as np

LEVELS = 16
TABLE_SIZE = 16384
FEATURES = 2
MINRES = (16, 16)
MAXRES = (512, 512)
N_POINTS = 262144
_PRIMES = (1, 2654435761)


def _get_level_res_nd(levels, minres, maxres):
    minres = np.asarray(minres, dtype=np.float64)
    maxres = np.asarray(maxres, dtype=np.float64)
    if levels > 1:
        b = np.exp((np.log(maxres) - np.log(minres)) / (levels - 1))
    else:
        b = np.ones_like(minres)
    return [tuple(int(np.round(minres[d] * (b[d] ** l))) for d in range(minres.shape[0])) for l in range(levels)]


def _bilinear(lookup, res, coords):
    # coords: [2, N] normalized to [0, 1]; order=1 interpolation, mode='nearest' boundary (clamp)
    rx, ry = res
    x = coords[0] * (rx - 1)
    y = coords[1] * (ry - 1)
    x0f = jnp.floor(x)
    y0f = jnp.floor(y)
    fx = (x - x0f)[:, None]
    fy = (y - y0f)[:, None]
    ix0 = jnp.clip(x0f.astype(jnp.int32), 0, rx - 1)
    iy0 = jnp.clip(y0f.astype(jnp.int32), 0, ry - 1)
    ix1 = jnp.clip(ix0 + 1, 0, rx - 1)
    iy1 = jnp.clip(iy0 + 1, 0, ry - 1)
    v00 = lookup(ix0, iy0)
    v01 = lookup(ix0, iy1)
    v10 = lookup(ix1, iy0)
    v11 = lookup(ix1, iy1)
    return (v00 * (1.0 - fx) * (1.0 - fy)
            + v01 * (1.0 - fx) * fy
            + v10 * fx * (1.0 - fy)
            + v11 * fx * fy)


def _forward(coords, dense_table, hash_tables):
    res_levels = _get_level_res_nd(LEVELS, MINRES, MAXRES)
    feats = []

    def dense_lookup(ix, iy):
        return dense_table[ix, iy]

    feats.append(_bilinear(dense_lookup, res_levels[0], coords))

    for li, res in enumerate(res_levels[1:]):
        table = hash_tables[li]

        def hash_lookup(ix, iy, table=table):
            h = (ix.astype(jnp.uint32) * jnp.uint32(_PRIMES[0])) ^ (iy.astype(jnp.uint32) * jnp.uint32(_PRIMES[1]))
            idx = (h % jnp.uint32(TABLE_SIZE)).astype(jnp.int32)
            return jnp.take(table, idx, axis=0)

        feats.append(_bilinear(hash_lookup, res, coords))

    return jnp.concatenate(feats, -1)


def setup_inputs(seed: int = 0) -> dict:
    key = jax.random.key(seed)
    k1, k2, k3 = jax.random.split(key, 3)
    coords = jax.random.uniform(k1, (2, N_POINTS), dtype=jnp.float32)
    dense_table = jax.random.uniform(k2, (MINRES[0], MINRES[1], FEATURES), jnp.float32, -1e-4, 1e-4)
    hash_tables = jax.random.uniform(k3, (LEVELS - 1, TABLE_SIZE, FEATURES), jnp.float32, -1e-4, 1e-4)
    return {"coords": coords, "dense_table": dense_table, "hash_tables": hash_tables}


def reference(coords, dense_table, hash_tables):
    return _forward(coords, dense_table, hash_tables)

if __name__ == "__main__":
    import jax
    _d = setup_inputs()
    print(jax.jit(kernel)(*tuple(_d.values())))

</pallas_src>

<mosaic_0001>
#map = affine_map<(d0, d1) -> (0, 0)>
#map1 = affine_map<(d0, d1) -> (0)>
#map2 = affine_map<(d0, d1) -> (0, 0, 0)>
module attributes {stable_mosaic.version = 14 : i64} {
  func.func @sc_forward(%arg0: i32, %arg1: i32, %arg2: memref<2x262144xf32, #tpu.memory_space<hbm>>, %arg3: memref<32xf32, #tpu.memory_space<hbm>>, %arg4: memref<2x256xf32, #tpu.memory_space<hbm>>, %arg5: memref<15x2x16384xf32, #tpu.memory_space<hbm>>, %arg6: memref<32x262144xf32, #tpu.memory_space<hbm>>, %arg7: memref<32xf32, #tpu.memory_space<vmem>>, %arg8: memref<256xf32, #tpu.memory_space<vmem>>, %arg9: memref<256xf32, #tpu.memory_space<vmem>>, %arg10: memref<16384xf32, #tpu.memory_space<vmem>>, %arg11: memref<16384xf32, #tpu.memory_space<vmem>>, %arg12: memref<4096xf32, #tpu.memory_space<vmem>>, %arg13: memref<4096xf32, #tpu.memory_space<vmem>>, %arg14: memref<4096xf32, #tpu.memory_space<vmem>>, %arg15: memref<4096xf32, #tpu.memory_space<vmem>>, %arg16: memref<4096xf32, #tpu.memory_space<vmem>>, %arg17: memref<4096xf32, #tpu.memory_space<vmem>>, %arg18: memref<4096xf32, #tpu.memory_space<vmem>>, %arg19: memref<4096xf32, #tpu.memory_space<vmem>>, %arg20: memref<!tpu.dma_semaphore, #tpu.memory_space<semaphore_mem>>, %arg21: memref<!tpu.dma_semaphore, #tpu.memory_space<semaphore_mem>>, %arg22: memref<!tpu.dma_semaphore, #tpu.memory_space<semaphore_mem>>, %arg23: memref<!tpu.dma_semaphore, #tpu.memory_space<semaphore_mem>>) attributes {dimension_semantics = [#tpu.dimension_semantics<core_parallel>, #tpu.dimension_semantics<subcore_parallel>], iteration_bounds = array<i64: 2, 16>, scalar_prefetch = 0 : i64, scratch_operands = 17 : i64, tpu.core_type = #tpu.core_type<sc_vector_subcore>, window_params = [{transform_indices = #map}, {transform_indices = #map1}, {transform_indices = #map}, {transform_indices = #map2}, {transform_indices = #map}]} {
    %mul3A = arith.constant 131072 : i32
    %mul3A_0 = arith.muli %arg0, %mul3A : i32
    %add3A = arith.constant 0 : i32
    %add3A_1 = arith.addi %mul3A_0, %add3A : i32
    %dma_start3A = arith.constant 0 : i32
    %dma_start3A_2 = tpu.memref_slice %arg2[%dma_start3A, %add3A_1] : memref<2x262144xf32, #tpu.memory_space<hbm>> -> memref<1x4096xf32, #tpu.memory_space<hbm>>
    %dma_start3A_3 = tpu.memref_squeeze %dma_start3A_2 : memref<1x4096xf32, #tpu.memory_space<hbm>> -> memref<4096xf32, #tpu.memory_space<hbm>>
    %dma_start3A_4 = tpu.memref_slice %arg2[%dma_start3A, %add3A_1] : memref<2x262144xf32, #tpu.memory_space<hbm>> -> memref<1x4096xf32, #tpu.memory_space<hbm>>
    %dma_start3A_5 = tpu.memref_squeeze %dma_start3A_4 : memref<1x4096xf32, #tpu.memory_space<hbm>> -> memref<4096xf32, #tpu.memory_space<hbm>>
    tpu.enqueue_dma source(%dma_start3A_5 : memref<4096xf32, #tpu.memory_space<hbm>>) target(%arg12 : memref<4096xf32, #tpu.memory_space<vmem>>) target_semaphore(%arg20 : memref<!tpu.dma_semaphore, #tpu.memory_space<semaphore_mem>>)
    %dma_start3A_6 = arith.constant 1 : i32
    %dma_start3A_7 = tpu.memref_slice %arg2[%dma_start3A_6, %add3A_1] : memref<2x262144xf32, #tpu.memory_space<hbm>> -> memref<1x4096xf32, #tpu.memory_space<hbm>>
    %dma_start3A_8 = tpu.memref_squeeze %dma_start3A_7 : memref<1x4096xf32, #tpu.memory_space<hbm>> -> memref<4096xf32, #tpu.memory_space<hbm>>
    %dma_start3A_9 = tpu.memref_slice %arg2[%dma_start3A_6, %add3A_1] : memref<2x262144xf32, #tpu.memory_space<hbm>> -> memref<1x4096xf32, #tpu.memory_space<hbm>>
    %dma_start3A_10 = tpu.memref_squeeze %dma_start3A_9 : memref<1x4096xf32, #tpu.memory_space<hbm>> -> memref<4096xf32, #tpu.memory_space<hbm>>
    tpu.enqueue_dma source(%dma_start3A_10 : memref<4096xf32, #tpu.memory_space<hbm>>) target(%arg13 : memref<4096xf32, #tpu.memory_space<vmem>>) target_semaphore(%arg20 : memref<!tpu.dma_semaphore, #tpu.memory_space<semaphore_mem>>)
    %add3A_11 = arith.constant 4096 : i32
    %add3A_12 = arith.addi %mul3A_0, %add3A_11 : i32
    %dma_start3A_13 = arith.constant 0 : i32
    %dma_start3A_14 = tpu.memref_slice %arg2[%dma_start3A_13, %add3A_12] : memref<2x262144xf32, #tpu.memory_space<hbm>> -> memref<1x4096xf32, #tpu.memory_space<hbm>>
    %dma_start3A_15 = tpu.memref_squeeze %dma_start3A_14 : memref<1x4096xf32, #tpu.memory_space<hbm>> -> memref<4096xf32, #tpu.memory_space<hbm>>
    %dma_start3A_16 = tpu.memref_slice %arg2[%dma_start3A_13, %add3A_12] : memref<2x262144xf32, #tpu.memory_space<hbm>> -> memref<1x4096xf32, #tpu.memory_space<hbm>>
    %dma_start3A_17 = tpu.memref_squeeze %dma_start3A_16 : memref<1x4096xf32, #tpu.memory_space<hbm>> -> memref<4096xf32, #tpu.memory_space<hbm>>
    tpu.enqueue_dma source(%dma_start3A_17 : memref<4096xf32, #tpu.memory_space<hbm>>) target(%arg16 : memref<4096xf32, #tpu.memory_space<vmem>>) target_semaphore(%arg21 : memref<!tpu.dma_semaphore, #tpu.memory_space<semaphore_mem>>)
    %dma_start3A_18 = arith.constant 1 : i32
    %dma_start3A_19 = tpu.memref_slice %arg2[%dma_start3A_18, %add3A_12] : memref<2x262144xf32, #tpu.memory_space<hbm>> -> memref<1x4096xf32, #tpu.memory_space<hbm>>
    %dma_start3A_20 = tpu.memref_squeeze %dma_start3A_19 : memref<1x4096xf32, #tpu.memory_space<hbm>> -> memref<4096xf32, #tpu.memory_space<hbm>>
    %dma_start3A_21 = tpu.memref_slice %arg2[%dma_start3A_18, %add3A_12] : memref<2x262144xf32, #tpu.memory_space<hbm>> -> memref<1x4096xf32, #tpu.memory_space<hbm>>
    %dma_start3A_22 = tpu.memref_squeeze %dma_start3A_21 : memref<1x4096xf32, #tpu.memory_space<hbm>> -> memref<4096xf32, #tpu.memory_space<hbm>>
    tpu.enqueue_dma source(%dma_start3A_22 : memref<4096xf32, #tpu.memory_space<hbm>>) target(%arg17 : memref<4096xf32, #tpu.memory_space<vmem>>) target_semaphore(%arg21 : memref<!tpu.dma_semaphore, #tpu.memory_space<semaphore_mem>>)
    "tpu.region"() ({
      %run_scoped3A = tpu.sem_alloc : memref<!tpu.dma_semaphore, #tpu.memory_space<semaphore_mem>>
      tpu.enqueue_dma source(%arg3 : memref<32xf32, #tpu.memory_space<hbm>>) target(%arg7 : memref<32xf32, #tpu.memory_space<vmem>>) target_semaphore(%run_scoped3A : memref<!tpu.dma_semaphore, #tpu.memory_space<semaphore_mem>>)
      tpu.wait_dma2 semaphore(%run_scoped3A : memref<!tpu.dma_semaphore, #tpu.memory_space<semaphore_mem>>) src(%arg3 : memref<32xf32, #tpu.memory_space<hbm>>) dst(%arg7 : memref<32xf32, #tpu.memory_space<vmem>>)
      tpu.yield
    }) : () -> ()
    %eq3A = arith.constant 0 : i32
    %eq3A_23 = arith.cmpi eq, %arg1, %eq3A : i32
    %convert_element_type3A = arith.extui %eq3A_23 : i1 to i32
    %cond3A = arith.constant 0 : i32
    %cond3A_24 = arith.cmpi ne, %convert_element_type3A, %cond3A : i32
    scf.if %cond3A_24 {
      %run_scoped3A = arith.constant 0 : i32
      "tpu.region"() ({
        %run_scoped3A_48 = tpu.sem_alloc : memref<!tpu.dma_semaphore, #tpu.memory_space<semaphore_mem>>
        %dma_start3A_49 = arith.constant 0 : i32
        %dma_start3A_50 = tpu.memref_slice %arg4[%run_scoped3A, %dma_start3A_49] : memref<2x256xf32, #tpu.memory_space<hbm>> -> memref<1x256xf32, #tpu.memory_space<hbm>>
        %dma_start3A_51 = tpu.memref_squeeze %dma_start3A_50 : memref<1x256xf32, #tpu.memory_space<hbm>> -> memref<256xf32, #tpu.memory_space<hbm>>
        %dma_start3A_52 = arith.constant 0 : i32
        %dma_start3A_53 = tpu.memref_slice %arg4[%run_scoped3A, %dma_start3A_52] : memref<2x256xf32, #tpu.memory_space<hbm>> -> memref<1x256xf32, #tpu.memory_space<hbm>>
        %dma_start3A_54 = tpu.memref_squeeze %dma_start3A_53 : memref<1x256xf32, #tpu.memory_space<hbm>> -> memref<256xf32, #tpu.memory_space<hbm>>
        tpu.enqueue_dma source(%dma_start3A_54 : memref<256xf32, #tpu.memory_space<hbm>>) target(%arg8 : memref<256xf32, #tpu.memory_space<vmem>>) target_semaphore(%run_scoped3A_48 : memref<!tpu.dma_semaphore, #tpu.memory_space<semaphore_mem>>)
        %dma_wait3A = arith.constant 0 : i32
        %dma_wait3A_55 = tpu.memref_slice %arg4[%run_scoped3A, %dma_wait3A] : memref<2x256xf32, #tpu.memory_space<hbm>> -> memref<1x256xf32, #tpu.memory_space<hbm>>
        %dma_wait3A_56 = tpu.memref_squeeze %dma_wait3A_55 : memref<1x256xf32, #tpu.memory_space<hbm>> -> memref<256xf32, #tpu.memory_space<hbm>>
        %dma_wait3A_57 = arith.constant 0 : i32
        %dma_wait3A_58 = tpu.memref_slice %arg4[%run_scoped3A, %dma_wait3A_57] : memref<2x256xf32, #tpu.memory_space<hbm>> -> memref<1x256xf32, #tpu.memory_space<hbm>>
        %dma_wait3A_59 = tpu.memref_squeeze %dma_wait3A_58 : memref<1x256xf32, #tpu.memory_space<hbm>> -> memref<256xf32, #tpu.memory_space<hbm>>
        tpu.wait_dma2 semaphore(%run_scoped3A_48 : memref<!tpu.dma_semaphore, #tpu.memory_space<semaphore_mem>>) src(%dma_wait3A_59 : memref<256xf32, #tpu.memory_space<hbm>>) dst(%arg8 : memref<256xf32, #tpu.memory_space<vmem>>)
        tpu.yield
      }) : () -> ()
      %run_scoped3A_47 = arith.constant 1 : i32
      "tpu.region"() ({
        %run_scoped3A_48 = tpu.sem_alloc : memref<!tpu.dma_semaphore, #tpu.memory_space<semaphore_mem>>
        %dma_start3A_49 = arith.constant 0 : i32
        %dma_start3A_50 = tpu.memref_slice %arg4[%run_scoped3A_47, %dma_start3A_49] : memref<2x256xf32, #tpu.memory_space<hbm>> -> memref<1x256xf32, #tpu.memory_space<hbm>>
        %dma_start3A_51 = tpu.memref_squeeze %dma_start3A_50 : memref<1x256xf32, #tpu.memory_space<hbm>> -> memref<256xf32, #tpu.memory_space<hbm>>
        %dma_start3A_52 = arith.constant 0 : i32
        %dma_start3A_53 = tpu.memref_slice %arg4[%run_scoped3A_47, %dma_start3A_52] : memref<2x256xf32, #tpu.memory_space<hbm>> -> memref<1x256xf32, #tpu.memory_space<hbm>>
        %dma_start3A_54 = tpu.memref_squeeze %dma_start3A_53 : memref<1x256xf32, #tpu.memory_space<hbm>> -> memref<256xf32, #tpu.memory_space<hbm>>
        tpu.enqueue_dma source(%dma_start3A_54 : memref<256xf32, #tpu.memory_space<hbm>>) target(%arg9 : memref<256xf32, #tpu.memory_space<vmem>>) target_semaphore(%run_scoped3A_48 : memref<!tpu.dma_semaphore, #tpu.memory_space<semaphore_mem>>)
        %dma_wait3A = arith.constant 0 : i32
        %dma_wait3A_55 = tpu.memref_slice %arg4[%run_scoped3A_47, %dma_wait3A] : memref<2x256xf32, #tpu.memory_space<hbm>> -> memref<1x256xf32, #tpu.memory_space<hbm>>
        %dma_wait3A_56 = tpu.memref_squeeze %dma_wait3A_55 : memref<1x256xf32, #tpu.memory_space<hbm>> -> memref<256xf32, #tpu.memory_space<hbm>>
        %dma_wait3A_57 = arith.constant 0 : i32
        %dma_wait3A_58 = tpu.memref_slice %arg4[%run_scoped3A_47, %dma_wait3A_57] : memref<2x256xf32, #tpu.memory_space<hbm>> -> memref<1x256xf32, #tpu.memory_space<hbm>>
        %dma_wait3A_59 = tpu.memref_squeeze %dma_wait3A_58 : memref<1x256xf32, #tpu.memory_space<hbm>> -> memref<256xf32, #tpu.memory_space<hbm>>
        tpu.wait_dma2 semaphore(%run_scoped3A_48 : memref<!tpu.dma_semaphore, #tpu.memory_space<semaphore_mem>>) src(%dma_wait3A_59 : memref<256xf32, #tpu.memory_space<hbm>>) dst(%arg9 : memref<256xf32, #tpu.memory_space<vmem>>)
        tpu.yield
      }) : () -> ()
    } else {
    }
    %gt3A = arith.constant 0 : i32
    %gt3A_25 = arith.cmpi sgt, %arg1, %gt3A : i32
    %convert_element_type3A_26 = arith.extui %gt3A_25 : i1 to i32
    %cond3A_27 = arith.constant 0 : i32
    %cond3A_28 = arith.cmpi ne, %convert_element_type3A_26, %cond3A_27 : i32
    scf.if %cond3A_28 {
      %sub3A = arith.constant 1 : i32
      %sub3A_47 = arith.subi %arg1, %sub3A : i32
      %run_scoped3A = arith.constant 0 : i32
      "tpu.region"() ({
        %run_scoped3A_51 = tpu.sem_alloc : memref<!tpu.dma_semaphore, #tpu.memory_space<semaphore_mem>>
        %dma_start3A_52 = arith.constant 0 : i32
        %dma_start3A_53 = tpu.memref_slice %arg5[%sub3A_47, %run_scoped3A, %dma_start3A_52] : memref<15x2x16384xf32, #tpu.memory_space<hbm>> -> memref<1x1x16384xf32, #tpu.memory_space<hbm>>
        %dma_start3A_54 = tpu.memref_squeeze %dma_start3A_53 : memref<1x1x16384xf32, #tpu.memory_space<hbm>> -> memref<16384xf32, #tpu.memory_space<hbm>>
        %dma_start3A_55 = arith.constant 0 : i32
        %dma_start3A_56 = tpu.memref_slice %arg5[%sub3A_47, %run_scoped3A, %dma_start3A_55] : memref<15x2x16384xf32, #tpu.memory_space<hbm>> -> memref<1x1x16384xf32, #tpu.memory_space<hbm>>
        %dma_start3A_57 = tpu.memref_squeeze %dma_start3A_56 : memref<1x1x16384xf32, #tpu.memory_space<hbm>> -> memref<16384xf32, #tpu.memory_space<hbm>>
        tpu.enqueue_dma source(%dma_start3A_57 : memref<16384xf32, #tpu.memory_space<hbm>>) target(%arg10 : memref<16384xf32, #tpu.memory_space<vmem>>) target_semaphore(%run_scoped3A_51 : memref<!tpu.dma_semaphore, #tpu.memory_space<semaphore_mem>>)
        %dma_wait3A = arith.constant 0 : i32
        %dma_wait3A_58 = tpu.memref_slice %arg5[%sub3A_47, %run_scoped3A, %dma_wait3A] : memref<15x2x16384xf32, #tpu.memory_space<hbm>> -> memref<1x1x16384xf32, #tpu.memory_space<hbm>>
        %dma_wait3A_59 = tpu.memref_squeeze %dma_wait3A_58 : memref<1x1x16384xf32, #tpu.memory_space<hbm>> -> memref<16384xf32, #tpu.memory_space<hbm>>
        %dma_wait3A_60 = arith.constant 0 : i32
        %dma_wait3A_61 = tpu.memref_slice %arg5[%sub3A_47, %run_scoped3A, %dma_wait3A_60] : memref<15x2x16384xf32, #tpu.memory_space<hbm>> -> memref<1x1x16384xf32, #tpu.memory_space<hbm>>
        %dma_wait3A_62 = tpu.memref_squeeze %dma_wait3A_61 : memref<1x1x16384xf32, #tpu.memory_space<hbm>> -> memref<16384xf32, #tpu.memory_space<hbm>>
        tpu.wait_dma2 semaphore(%run_scoped3A_51 : memref<!tpu.dma_semaphore, #tpu.memory_space<semaphore_mem>>) src(%dma_wait3A_62 : memref<16384xf32, #tpu.memory_space<hbm>>) dst(%arg10 : memref<16384xf32, #tpu.memory_space<vmem>>)
        tpu.yield
      }) : () -> ()
      %sub3A_48 = arith.constant 1 : i32
      %sub3A_49 = arith.subi %arg1, %sub3A_48 : i32
      %run_scoped3A_50 = arith.constant 1 : i32
      "tpu.region"() ({
        %run_scoped3A_51 = tpu.sem_alloc : memref<!tpu.dma_semaphore, #tpu.memory_space<semaphore_mem>>
        %dma_start3A_52 = arith.constant 0 : i32
        %dma_start3A_53 = tpu.memref_slice %arg5[%sub3A_49, %run_scoped3A_50, %dma_start3A_52] : memref<15x2x16384xf32, #tpu.memory_space<hbm>> -> memref<1x1x16384xf32, #tpu.memory_space<hbm>>
        %dma_start3A_54 = tpu.memref_squeeze %dma_start3A_53 : memref<1x1x16384xf32, #tpu.memory_space<hbm>> -> memref<16384xf32, #tpu.memory_space<hbm>>
        %dma_start3A_55 = arith.constant 0 : i32
        %dma_start3A_56 = tpu.memref_slice %arg5[%sub3A_49, %run_scoped3A_50, %dma_start3A_55] : memref<15x2x16384xf32, #tpu.memory_space<hbm>> -> memref<1x1x16384xf32, #tpu.memory_space<hbm>>
        %dma_start3A_57 = tpu.memref_squeeze %dma_start3A_56 : memref<1x1x16384xf32, #tpu.memory_space<hbm>> -> memref<16384xf32, #tpu.memory_space<hbm>>
        tpu.enqueue_dma source(%dma_start3A_57 : memref<16384xf32, #tpu.memory_space<hbm>>) target(%arg11 : memref<16384xf32, #tpu.memory_space<vmem>>) target_semaphore(%run_scoped3A_51 : memref<!tpu.dma_semaphore, #tpu.memory_space<semaphore_mem>>)
        %dma_wait3A = arith.constant 0 : i32
        %dma_wait3A_58 = tpu.memref_slice %arg5[%sub3A_49, %run_scoped3A_50, %dma_wait3A] : memref<15x2x16384xf32, #tpu.memory_space<hbm>> -> memref<1x1x16384xf32, #tpu.memory_space<hbm>>
        %dma_wait3A_59 = tpu.memref_squeeze %dma_wait3A_58 : memref<1x1x16384xf32, #tpu.memory_space<hbm>> -> memref<16384xf32, #tpu.memory_space<hbm>>
        %dma_wait3A_60 = arith.constant 0 : i32
        %dma_wait3A_61 = tpu.memref_slice %arg5[%sub3A_49, %run_scoped3A_50, %dma_wait3A_60] : memref<15x2x16384xf32, #tpu.memory_space<hbm>> -> memref<1x1x16384xf32, #tpu.memory_space<hbm>>
        %dma_wait3A_62 = tpu.memref_squeeze %dma_wait3A_61 : memref<1x1x16384xf32, #tpu.memory_space<hbm>> -> memref<16384xf32, #tpu.memory_space<hbm>>
        tpu.wait_dma2 semaphore(%run_scoped3A_51 : memref<!tpu.dma_semaphore, #tpu.memory_space<semaphore_mem>>) src(%dma_wait3A_62 : memref<16384xf32, #tpu.memory_space<hbm>>) dst(%arg11 : memref<16384xf32, #tpu.memory_space<vmem>>)
        tpu.yield
      }) : () -> ()
    } else {
    }
    %mul3A_29 = arith.constant 2 : i32
    %mul3A_30 = arith.muli %mul3A_29, %arg1 : i32
    %broadcast_in_dim3A = vector.broadcast %mul3A_30 : i32 to vector<16xi32>
    %gather3A = tpu.vector_load_idx %arg7[%broadcast_in_dim3A] : memref<32xf32, #tpu.memory_space<vmem>>[vector<16xi32>], vector<16xf32>,
    %add3A_31 = arith.constant 1 : i32
    %add3A_32 = vector.broadcast %add3A_31 : i32 to vector<16xi32>
    %add3A_33 = arith.addi %broadcast_in_dim3A, %add3A_32 : vector<16xi32>
    %gather3A_34 = tpu.vector_load_idx %arg7[%add3A_33] : memref<32xf32, #tpu.memory_space<vmem>>[vector<16xi32>], vector<16xf32>,
    %convert_element_type3A_35 = arith.fptosi %gather3A : vector<16xf32> to vector<16xi32>
    %convert_element_type3A_36 = arith.fptosi %gather3A_34 : vector<16xf32> to vector<16xi32>
    %eq3A_37 = arith.constant 0 : i32
    %eq3A_38 = arith.cmpi eq, %arg1, %eq3A_37 : i32
    %convert_element_type3A_39 = arith.extui %eq3A_38 : i1 to i32
    %cond3A_40 = arith.constant 0 : i32
    %cond3A_41 = arith.cmpi ne, %convert_element_type3A_39, %cond3A_40 : i32
    scf.if %cond3A_41 {
      %scan3A = arith.constant 0 : i32
      %scan3A_47 = arith.constant 0 : i32
      %scan3A_48 = arith.constant 16 : i32
      %scan3A_49 = arith.addi %scan3A_47, %scan3A_48 : i32
      %scan3A_50 = arith.constant 1 : i32
      scf.for %scan3A_83 = %scan3A_47 to %scan3A_49 step %scan3A_50  : i32 {
        %mul3A_84 = arith.constant 2 : i32
        %mul3A_85 = arith.muli %scan3A_83, %mul3A_84 : i32
        %add3A_86 = arith.constant 0 : i32
        %add3A_87 = arith.addi %mul3A_85, %add3A_86 : i32
        %mul3A_88 = arith.constant 4096 : i32
        %mul3A_89 = arith.muli %add3A_87, %mul3A_88 : i32
        %add3A_90 = arith.addi %mul3A_0, %mul3A_89 : i32
        %dma_wait3A_91 = arith.constant 0 : i32
        %dma_wait3A_92 = tpu.memref_slice %arg2[%dma_wait3A_91, %add3A_90] : memref<2x262144xf32, #tpu.memory_space<hbm>> -> memref<1x4096xf32, #tpu.memory_space<hbm>>
        %dma_wait3A_93 = tpu.memref_squeeze %dma_wait3A_92 : memref<1x4096xf32, #tpu.memory_space<hbm>> -> memref<4096xf32, #tpu.memory_space<hbm>>
        %dma_wait3A_94 = tpu.memref_slice %arg2[%dma_wait3A_91, %add3A_90] : memref<2x262144xf32, #tpu.memory_space<hbm>> -> memref<1x4096xf32, #tpu.memory_space<hbm>>
        %dma_wait3A_95 = tpu.memref_squeeze %dma_wait3A_94 : memref<1x4096xf32, #tpu.memory_space<hbm>> -> memref<4096xf32, #tpu.memory_space<hbm>>
        tpu.wait_dma2 semaphore(%arg20 : memref<!tpu.dma_semaphore, #tpu.memory_space<semaphore_mem>>) src(%dma_wait3A_95 : memref<4096xf32, #tpu.memory_space<hbm>>) dst(%arg12 : memref<4096xf32, #tpu.memory_space<vmem>>)
        %dma_wait3A_96 = arith.constant 1 : i32
        %dma_wait3A_97 = tpu.memref_slice %arg2[%dma_wait3A_96, %add3A_90] : memref<2x262144xf32, #tpu.memory_space<hbm>> -> memref<1x4096xf32, #tpu.memory_space<hbm>>
        %dma_wait3A_98 = tpu.memref_squeeze %dma_wait3A_97 : memref<1x4096xf32, #tpu.memory_space<hbm>> -> memref<4096xf32, #tpu.memory_space<hbm>>
        %dma_wait3A_99 = tpu.memref_slice %arg2[%dma_wait3A_96, %add3A_90] : memref<2x262144xf32, #tpu.memory_space<hbm>> -> memref<1x4096xf32, #tpu.memory_space<hbm>>
        %dma_wait3A_100 = tpu.memref_squeeze %dma_wait3A_99 : memref<1x4096xf32, #tpu.memory_space<hbm>> -> memref<4096xf32, #tpu.memory_space<hbm>>
        tpu.wait_dma2 semaphore(%arg20 : memref<!tpu.dma_semaphore, #tpu.memory_space<semaphore_mem>>) src(%dma_wait3A_100 : memref<4096xf32, #tpu.memory_space<hbm>>) dst(%arg13 : memref<4096xf32, #tpu.memory_space<vmem>>)
        %gt3A_101 = arith.constant 0 : i32
        %gt3A_102 = arith.cmpi sgt, %scan3A_83, %gt3A_101 : i32
        %convert_element_type3A_103 = arith.extui %gt3A_102 : i1 to i32
        %cond3A_104 = arith.constant 0 : i32
        %cond3A_105 = arith.cmpi ne, %convert_element_type3A_103, %cond3A_104 : i32
        scf.if %cond3A_105 {
          %mul3A_174 = arith.constant 4096 : i32
          %mul3A_175 = arith.muli %add3A_87, %mul3A_174 : i32
          %add3A_176 = arith.addi %mul3A_0, %mul3A_175 : i32
          %mul3A_177 = arith.constant 2 : i32
          %mul3A_178 = arith.muli %mul3A_177, %arg1 : i32
          %dma_wait3A_179 = tpu.memref_slice %arg6[%mul3A_178, %add3A_176] : memref<32x262144xf32, #tpu.memory_space<hbm>> -> memref<1x4096xf32, #tpu.memory_space<hbm>>
          %dma_wait3A_180 = tpu.memref_squeeze %dma_wait3A_179 : memref<1x4096xf32, #tpu.memory_space<hbm>> -> memref<4096xf32, #tpu.memory_space<hbm>>
          %dma_wait3A_181 = tpu.memref_slice %arg6[%mul3A_178, %add3A_176] : memref<32x262144xf32, #tpu.memory_space<hbm>> -> memref<1x4096xf32, #tpu.memory_space<hbm>>
          %dma_wait3A_182 = tpu.memref_squeeze %dma_wait3A_181 : memref<1x4096xf32, #tpu.memory_space<hbm>> -> memref<4096xf32, #tpu.memory_space<hbm>>
          tpu.wait_dma2 semaphore(%arg22 : memref<!tpu.dma_semaphore, #tpu.memory_space<semaphore_mem>>) src(%arg14 : memref<4096xf32, #tpu.memory_space<vmem>>) dst(%dma_wait3A_182 : memref<4096xf32, #tpu.memory_space<hbm>>)
          %mul3A_183 = arith.constant 2 : i32
          %mul3A_184 = arith.muli %mul3A_183, %arg1 : i32
          %add3A_185 = arith.constant 1 : i32
          %add3A_186 = arith.addi %mul3A_184, %add3A_185 : i32
          %dma_wait3A_187 = tpu.memref_slice %arg6[%add3A_186, %add3A_176] : memref<32x262144xf32, #tpu.memory_space<hbm>> -> memref<1x4096xf32, #tpu.memory_space<hbm>>
          %dma_wait3A_188 = tpu.memref_squeeze %dma_wait3A_187 : memref<1x4096xf32, #tpu.memory_space<hbm>> -> memref<4096xf32, #tpu.memory_space<hbm>>
          %dma_wait3A_189 = tpu.memref_slice %arg6[%add3A_186, %add3A_176] : memref<32x262144xf32, #tpu.memory_space<hbm>> -> memref<1x4096xf32, #tpu.memory_space<hbm>>
          %dma_wait3A_190 = tpu.memref_squeeze %dma_wait3A_189 : memref<1x4096xf32, #tpu.memory_space<hbm>> -> memref<4096xf32, #tpu.memory_space<hbm>>
          tpu.wait_dma2 semaphore(%arg22 : memref<!tpu.dma_semaphore, #tpu.memory_space<semaphore_mem>>) src(%arg15 : memref<4096xf32, #tpu.memory_space<vmem>>) dst(%dma_wait3A_190 : memref<4096xf32, #tpu.memory_space<hbm>>)
        } else {
        }
        %parallel_loop3A = arith.constant 0 : i32
        %parallel_loop3A_106 = arith.constant 4096 : i32
        %parallel_loop3A_107 = arith.constant 16 : i32
        scf.for %parallel_loop3A_174 = %parallel_loop3A to %parallel_loop3A_106 step %parallel_loop3A_107  : i32 {
          %parallel_loop3A_175 = tpu.assume_multiple %parallel_loop3A_174, 16 : i32
          %parallel_loop3A_176 = arith.index_cast %parallel_loop3A_175 : i32 to index
          %parallel_loop3A_177 = tpu.vector_load %arg12[%parallel_loop3A_176] {strides = array<i32>} : memref<4096xf32, #tpu.memory_space<vmem>>, vector<16xf32>,
          %parallel_loop3A_178 = arith.mulf %parallel_loop3A_177, %gather3A : vector<16xf32>
          %parallel_loop3A_179 = arith.index_cast %parallel_loop3A_175 : i32 to index
          %parallel_loop3A_180 = tpu.vector_load %arg13[%parallel_loop3A_179] {strides = array<i32>} : memref<4096xf32, #tpu.memory_space<vmem>>, vector<16xf32>,
          %parallel_loop3A_181 = arith.mulf %parallel_loop3A_180, %gather3A_34 : vector<16xf32>
          %parallel_loop3A_182 = arith.fptosi %parallel_loop3A_178 : vector<16xf32> to vector<16xi32>
          %parallel_loop3A_183 = arith.fptosi %parallel_loop3A_181 : vector<16xf32> to vector<16xi32>
          %parallel_loop3A_184 = arith.sitofp %parallel_loop3A_182 : vector<16xi32> to vector<16xf32>
          %parallel_loop3A_185 = arith.subf %parallel_loop3A_178, %parallel_loop3A_184 : vector<16xf32>
          %parallel_loop3A_186 = arith.sitofp %parallel_loop3A_183 : vector<16xi32> to vector<16xf32>
          %parallel_loop3A_187 = arith.subf %parallel_loop3A_181, %parallel_loop3A_186 : vector<16xf32>
          %parallel_loop3A_188 = arith.constant 1 : i32
          %parallel_loop3A_189 = vector.broadcast %parallel_loop3A_188 : i32 to vector<16xi32>
          %parallel_loop3A_190 = arith.addi %parallel_loop3A_182, %parallel_loop3A_189 : vector<16xi32>
          %parallel_loop3A_191 = arith.minsi %parallel_loop3A_190, %convert_element_type3A_35 : vector<16xi32>
          %parallel_loop3A_192 = arith.constant 1 : i32
          %parallel_loop3A_193 = vector.broadcast %parallel_loop3A_192 : i32 to vector<16xi32>
          %parallel_loop3A_194 = arith.addi %parallel_loop3A_183, %parallel_loop3A_193 : vector<16xi32>
          %parallel_loop3A_195 = arith.minsi %parallel_loop3A_194, %convert_element_type3A_36 : vector<16xi32>
          %parallel_loop3A_196 = arith.constant 16 : i32
          %parallel_loop3A_197 = vector.broadcast %parallel_loop3A_196 : i32 to vector<16xi32>
          %parallel_loop3A_198 = arith.muli %parallel_loop3A_182, %parallel_loop3A_197 : vector<16xi32>
          %parallel_loop3A_199 = arith.addi %parallel_loop3A_198, %parallel_loop3A_183 : vector<16xi32>
          %parallel_loop3A_200 = arith.constant 16 : i32
          %parallel_loop3A_201 = vector.broadcast %parallel_loop3A_200 : i32 to vector<16xi32>
          %parallel_loop3A_202 = arith.muli %parallel_loop3A_182, %parallel_loop3A_201 : vector<16xi32>
          %parallel_loop3A_203 = arith.addi %parallel_loop3A_202, %parallel_loop3A_195 : vector<16xi32>
          %parallel_loop3A_204 = arith.constant 16 : i32
          %parallel_loop3A_205 = vector.broadcast %parallel_loop3A_204 : i32 to vector<16xi32>
          %parallel_loop3A_206 = arith.muli %parallel_loop3A_191, %parallel_loop3A_205 : vector<16xi32>
          %parallel_loop3A_207 = arith.addi %parallel_loop3A_206, %parallel_loop3A_183 : vector<16xi32>
          %parallel_loop3A_208 = arith.constant 16 : i32
          %parallel_loop3A_209 = vector.broadcast %parallel_loop3A_208 : i32 to vector<16xi32>
          %parallel_loop3A_210 = arith.muli %parallel_loop3A_191, %parallel_loop3A_209 : vector<16xi32>
          %parallel_loop3A_211 = arith.addi %parallel_loop3A_210, %parallel_loop3A_195 : vector<16xi32>
          %parallel_loop3A_212 = tpu.vector_load_idx %arg8[%parallel_loop3A_199] : memref<256xf32, #tpu.memory_space<vmem>>[vector<16xi32>], vector<16xf32>,
          %parallel_loop3A_213 = tpu.vector_load_idx %arg8[%parallel_loop3A_203] : memref<256xf32, #tpu.memory_space<vmem>>[vector<16xi32>], vector<16xf32>,
          %parallel_loop3A_214 = tpu.vector_load_idx %arg8[%parallel_loop3A_207] : memref<256xf32, #tpu.memory_space<vmem>>[vector<16xi32>], vector<16xf32>,
          %parallel_loop3A_215 = tpu.vector_load_idx %arg8[%parallel_loop3A_211] : memref<256xf32, #tpu.memory_space<vmem>>[vector<16xi32>], vector<16xf32>,
          %parallel_loop3A_216 = tpu.vector_load_idx %arg9[%parallel_loop3A_199] : memref<256xf32, #tpu.memory_space<vmem>>[vector<16xi32>], vector<16xf32>,
          %parallel_loop3A_217 = tpu.vector_load_idx %arg9[%parallel_loop3A_203] : memref<256xf32, #tpu.memory_space<vmem>>[vector<16xi32>], vector<16xf32>,
          %parallel_loop3A_218 = tpu.vector_load_idx %arg9[%parallel_loop3A_207] : memref<256xf32, #tpu.memory_space<vmem>>[vector<16xi32>], vector<16xf32>,
          %parallel_loop3A_219 = tpu.vector_load_idx %arg9[%parallel_loop3A_211] : memref<256xf32, #tpu.memory_space<vmem>>[vector<16xi32>], vector<16xf32>,
          %parallel_loop3A_220 = arith.subf %parallel_loop3A_213, %parallel_loop3A_212 : vector<16xf32>
          %parallel_loop3A_221 = arith.mulf %parallel_loop3A_187, %parallel_loop3A_220 : vector<16xf32>
          %parallel_loop3A_222 = arith.addf %parallel_loop3A_212, %parallel_loop3A_221 : vector<16xf32>
          %parallel_loop3A_223 = arith.subf %parallel_loop3A_215, %parallel_loop3A_214 : vector<16xf32>
          %parallel_loop3A_224 = arith.mulf %parallel_loop3A_187, %parallel_loop3A_223 : vector<16xf32>
          %parallel_loop3A_225 = arith.addf %parallel_loop3A_214, %parallel_loop3A_224 : vector<16xf32>
          %parallel_loop3A_226 = arith.subf %parallel_loop3A_217, %parallel_loop3A_216 : vector<16xf32>
          %parallel_loop3A_227 = arith.mulf %parallel_loop3A_187, %parallel_loop3A_226 : vector<16xf32>
          %parallel_loop3A_228 = arith.addf %parallel_loop3A_216, %parallel_loop3A_227 : vector<16xf32>
          %parallel_loop3A_229 = arith.subf %parallel_loop3A_219, %parallel_loop3A_218 : vector<16xf32>
          %parallel_loop3A_230 = arith.mulf %parallel_loop3A_187, %parallel_loop3A_229 : vector<16xf32>
          %parallel_loop3A_231 = arith.addf %parallel_loop3A_218, %parallel_loop3A_230 : vector<16xf32>
          %parallel_loop3A_232 = arith.subf %parallel_loop3A_225, %parallel_loop3A_222 : vector<16xf32>
          %parallel_loop3A_233 = arith.mulf %parallel_loop3A_185, %parallel_loop3A_232 : vector<16xf32>
          %parallel_loop3A_234 = arith.addf %parallel_loop3A_222, %parallel_loop3A_233 : vector<16xf32>
          %parallel_loop3A_235 = arith.index_cast %parallel_loop3A_175 : i32 to index
          %parallel_loop3A_236 = tpu.vector_load %arg14[%parallel_loop3A_235] {strides = array<i32>} : memref<4096xf32, #tpu.memory_space<vmem>>, vector<16xf32>,
          tpu.vector_store %arg14[%parallel_loop3A_235], %parallel_loop3A_234 {strides = array<i32>} : memref<4096xf32, #tpu.memory_space<vmem>>, vector<16xf32>,
          %parallel_loop3A_237 = arith.subf %parallel_loop3A_231, %parallel_loop3A_228 : vector<16xf32>
          %parallel_loop3A_238 = arith.mulf %parallel_loop3A_185, %parallel_loop3A_237 : vector<16xf32>
          %parallel_loop3A_239 = arith.addf %parallel_loop3A_228, %parallel_loop3A_238 : vector<16xf32>
          %parallel_loop3A_240 = arith.index_cast %parallel_loop3A_175 : i32 to index
          %parallel_loop3A_241 = tpu.vector_load %arg15[%parallel_loop3A_240] {strides = array<i32>} : memref<4096xf32, #tpu.memory_space<vmem>>, vector<16xf32>,
          tpu.vector_store %arg15[%parallel_loop3A_240], %parallel_loop3A_239 {strides = array<i32>} : memref<4096xf32, #tpu.memory_space<vmem>>, vector<16xf32>,
        } {sc.loop_unroll_factor = 2 : i64, sc.parallel_access}
        %mul3A_108 = arith.constant 4096 : i32
        %mul3A_109 = arith.muli %add3A_87, %mul3A_108 : i32
        %add3A_110 = arith.addi %mul3A_0, %mul3A_109 : i32
        %mul3A_111 = arith.constant 2 : i32
        %mul3A_112 = arith.muli %mul3A_111, %arg1 : i32
        %dma_start3A_113 = tpu.memref_slice %arg6[%mul3A_112, %add3A_110] : memref<32x262144xf32, #tpu.memory_space<hbm>> -> memref<1x4096xf32, #tpu.memory_space<hbm>>
        %dma_start3A_114 = tpu.memref_squeeze %dma_start3A_113 : memref<1x4096xf32, #tpu.memory_space<hbm>> -> memref<4096xf32, #tpu.memory_space<hbm>>
        %dma_start3A_115 = tpu.memref_slice %arg6[%mul3A_112, %add3A_110] : memref<32x262144xf32, #tpu.memory_space<hbm>> -> memref<1x4096xf32, #tpu.memory_space<hbm>>
        %dma_start3A_116 = tpu.memref_squeeze %dma_start3A_115 : memref<1x4096xf32, #tpu.memory_space<hbm>> -> memref<4096xf32, #tpu.memory_space<hbm>>
        tpu.enqueue_dma source(%arg14 : memref<4096xf32, #tpu.memory_space<vmem>>) target(%dma_start3A_116 : memref<4096xf32, #tpu.memory_space<hbm>>) target_semaphore(%arg22 : memref<!tpu.dma_semaphore, #tpu.memory_space<semaphore_mem>>)
        %mul3A_117 = arith.constant 2 : i32
        %mul3A_118 = arith.muli %mul3A_117, %arg1 : i32
        %add3A_119 = arith.constant 1 : i32
        %add3A_120 = arith.addi %mul3A_118, %add3A_119 : i32
        %dma_start3A_121 = tpu.memref_slice %arg6[%add3A_120, %add3A_110] : memref<32x262144xf32, #tpu.memory_space<hbm>> -> memref<1x4096xf32, #tpu.memory_space<hbm>>
        %dma_start3A_122 = tpu.memref_squeeze %dma_start3A_121 : memref<1x4096xf32, #tpu.memory_space<hbm>> -> memref<4096xf32, #tpu.memory_space<hbm>>
        %dma_start3A_123 = tpu.memref_slice %arg6[%add3A_120, %add3A_110] : memref<32x262144xf32, #tpu.memory_space<hbm>> -> memref<1x4096xf32, #tpu.memory_space<hbm>>
        %dma_start3A_124 = tpu.memref_squeeze %dma_start3A_123 : memref<1x4096xf32, #tpu.memory_space<hbm>> -> memref<4096xf32, #tpu.memory_space<hbm>>
        tpu.enqueue_dma source(%arg15 : memref<4096xf32, #tpu.memory_space<vmem>>) target(%dma_start3A_124 : memref<4096xf32, #tpu.memory_space<hbm>>) target_semaphore(%arg22 : memref<!tpu.dma_semaphore, #tpu.memory_space<semaphore_mem>>)
        %lt3A = arith.constant 15 : i32
        %lt3A_125 = arith.cmpi slt, %scan3A_83, %lt3A : i32
        %convert_element_type3A_126 = arith.extui %lt3A_125 : i1 to i32
        %cond3A_127 = arith.constant 0 : i32
        %cond3A_128 = arith.cmpi ne, %convert_element_type3A_126, %cond3A_127 : i32
        scf.if %cond3A_128 {
          %add3A_174 = arith.constant 2 : i32
          %add3A_175 = arith.addi %add3A_87, %add3A_174 : i32
          %mul3A_176 = arith.constant 4096 : i32
          %mul3A_177 = arith.muli %add3A_175, %mul3A_176 : i32
          %add3A_178 = arith.addi %mul3A_0, %mul3A_177 : i32
          %dma_start3A_179 = arith.constant 0 : i32
          %dma_start3A_180 = tpu.memref_slice %arg2[%dma_start3A_179, %add3A_178] : memref<2x262144xf32, #tpu.memory_space<hbm>> -> memref<1x4096xf32, #tpu.memory_space<hbm>>
          %dma_start3A_181 = tpu.memref_squeeze %dma_start3A_180 : memref<1x4096xf32, #tpu.memory_space<hbm>> -> memref<4096xf32, #tpu.memory_space<hbm>>
          %dma_start3A_182 = tpu.memref_slice %arg2[%dma_start3A_179, %add3A_178] : memref<2x262144xf32, #tpu.memory_space<hbm>> -> memref<1x4096xf32, #tpu.memory_space<hbm>>
          %dma_start3A_183 = tpu.memref_squeeze %dma_start3A_182 : memref<1x4096xf32, #tpu.memory_space<hbm>> -> memref<4096xf32, #tpu.memory_space<hbm>>
          tpu.enqueue_dma source(%dma_start3A_183 : memref<4096xf32, #tpu.memory_space<hbm>>) target(%arg12 : memref<4096xf32, #tpu.memory_space<vmem>>) target_semaphore(%arg20 : memref<!tpu.dma_semaphore, #tpu.memory_space<semaphore_mem>>)
          %dma_start3A_184 = arith.constant 1 : i32
          %dma_start3A_185 = tpu.memref_slice %arg2[%dma_start3A_184, %add3A_178] : memref<2x262144xf32, #tpu.memory_space<hbm>> -> memref<1x4096xf32, #tpu.memory_space<hbm>>
          %dma_start3A_186 = tpu.memref_squeeze %dma_start3A_185 : memref<1x4096xf32, #tpu.memory_space<hbm>> -> memref<4096xf32, #tpu.memory_space<hbm>>
          %dma_start3A_187 = tpu.memref_slice %arg2[%dma_start3A_184, %add3A_178] : memref<2x262144xf32, #tpu.memory_space<hbm>> -> memref<1x4096xf32, #tpu.memory_space<hbm>>
          %dma_start3A_188 = tpu.memref_squeeze %dma_start3A_187 : memref<1x4096xf32, #tpu.memory_space<hbm>> -> memref<4096xf32, #tpu.memory_space<hbm>>
          tpu.enqueue_dma source(%dma_start3A_188 : memref<4096xf32, #tpu.memory_space<hbm>>) target(%arg13 : memref<4096xf32, #tpu.memory_space<vmem>>) target_semaphore(%arg20 : memref<!tpu.dma_semaphore, #tpu.memory_space<semaphore_mem>>)
        } else {
        }
        %add3A_129 = arith.constant 1 : i32
        %add3A_130 = arith.addi %mul3A_85, %add3A_129 : i32
        %mul3A_131 = arith.constant 4096 : i32
        %mul3A_132 = arith.muli %add3A_130, %mul3A_131 : i32
        %add3A_133 = arith.addi %mul3A_0, %mul3A_132 : i32
        %dma_wait3A_134 = arith.constant 0 : i32
        %dma_wait3A_135 = tpu.memref_slice %arg2[%dma_wait3A_134, %add3A_133] : memref<2x262144xf32, #tpu.memory_space<hbm>> -> memref<1x4096xf32, #tpu.memory_space<hbm>>
        %dma_wait3A_136 = tpu.memref_squeeze %dma_wait3A_135 : memref<1x4096xf32, #tpu.memory_space<hbm>> -> memref<4096xf32, #tpu.memory_space<hbm>>
        %dma_wait3A_137 = tpu.memref_slice %arg2[%dma_wait3A_134, %add3A_133] : memref<2x262144xf32, #tpu.memory_space<hbm>> -> memref<1x4096xf32, #tpu.memory_space<hbm>>
        %dma_wait3A_138 = tpu.memref_squeeze %dma_wait3A_137 : memref<1x4096xf32, #tpu.memory_space<hbm>> -> memref<4096xf32, #tpu.memory_space<hbm>>
        tpu.wait_dma2 semaphore(%arg21 : memref<!tpu.dma_semaphore, #tpu.memory_space<semaphore_mem>>) src(%dma_wait3A_138 : memref<4096xf32, #tpu.memory_space<hbm>>) dst(%arg16 : memref<4096xf32, #tpu.memory_space<vmem>>)
        %dma_wait3A_139 = arith.constant 1 : i32
        %dma_wait3A_140 = tpu.memref_slice %arg2[%dma_wait3A_139, %add3A_133] : memref<2x262144xf32, #tpu.memory_space<hbm>> -> memref<1x4096xf32, #tpu.memory_space<hbm>>
        %dma_wait3A_141 = tpu.memref_squeeze %dma_wait3A_140 : memref<1x4096xf32, #tpu.memory_space<hbm>> -> memref<4096xf32, #tpu.memory_space<hbm>>
        %dma_wait3A_142 = tpu.memref_slice %arg2[%dma_wait3A_139, %add3A_133] : memref<2x262144xf32, #tpu.memory_space<hbm>> -> memref<1x4096xf32, #tpu.memory_space<hbm>>
        %dma_wait3A_143 = tpu.memref_squeeze %dma_wait3A_142 : memref<1x4096xf32, #tpu.memory_space<hbm>> -> memref<4096xf32, #tpu.memory_space<hbm>>
        tpu.wait_dma2 semaphore(%arg21 : memref<!tpu.dma_semaphore, #tpu.memory_space<semaphore_mem>>) src(%dma_wait3A_143 : memref<4096xf32, #tpu.memory_space<hbm>>) dst(%arg17 : memref<4096xf32, #tpu.memory_space<vmem>>)
        %gt3A_144 = arith.constant 0 : i32
        %gt3A_145 = arith.cmpi sgt, %scan3A_83, %gt3A_144 : i32
        %convert_element_type3A_146 = arith.extui %gt3A_145 : i1 to i32
        %cond3A_147 = arith.constant 0 : i32
        %cond3A_148 = arith.cmpi ne, %convert_element_type3A_146, %cond3A_147 : i32
        scf.if %cond3A_148 {
          %mul3A_174 = arith.constant 4096 : i32
          %mul3A_175 = arith.muli %add3A_130, %mul3A_174 : i32
          %add3A_176 = arith.addi %mul3A_0, %mul3A_175 : i32
          %mul3A_177 = arith.constant 2 : i32
          %mul3A_178 = arith.muli %mul3A_177, %arg1 : i32
          %dma_wait3A_179 = tpu.memref_slice %arg6[%mul3A_178, %add3A_176] : memref<32x262144xf32, #tpu.memory_space<hbm>> -> memref<1x4096xf32, #tpu.memory_space<hbm>>
          %dma_wait3A_180 = tpu.memref_squeeze %dma_wait3A_179 : memref<1x4096xf32, #tpu.memory_space<hbm>> -> memref<4096xf32, #tpu.memory_space<hbm>>
          %dma_wait3A_181 = tpu.memref_slice %arg6[%mul3A_178, %add3A_176] : memref<32x262144xf32, #tpu.memory_space<hbm>> -> memref<1x4096xf32, #tpu.memory_space<hbm>>
          %dma_wait3A_182 = tpu.memref_squeeze %dma_wait3A_181 : memref<1x4096xf32, #tpu.memory_space<hbm>> -> memref<4096xf32, #tpu.memory_space<hbm>>
          tpu.wait_dma2 semaphore(%arg23 : memref<!tpu.dma_semaphore, #tpu.memory_space<semaphore_mem>>) src(%arg18 : memref<4096xf32, #tpu.memory_space<vmem>>) dst(%dma_wait3A_182 : memref<4096xf32, #tpu.memory_space<hbm>>)
          %mul3A_183 = arith.constant 2 : i32
          %mul3A_184 = arith.muli %mul3A_183, %arg1 : i32
          %add3A_185 = arith.constant 1 : i32
          %add3A_186 = arith.addi %mul3A_184, %add3A_185 : i32
          %dma_wait3A_187 = tpu.memref_slice %arg6[%add3A_186, %add3A_176] : memref<32x262144xf32, #tpu.memory_space<hbm>> -> memref<1x4096xf32, #tpu.memory_space<hbm>>
          %dma_wait3A_188 = tpu.memref_squeeze %dma_wait3A_187 : memref<1x4096xf32, #tpu.memory_space<hbm>> -> memref<4096xf32, #tpu.memory_space<hbm>>
          %dma_wait3A_189 = tpu.memref_slice %arg6[%add3A_186, %add3A_176] : memref<32x262144xf32, #tpu.memory_space<hbm>> -> memref<1x4096xf32, #tpu.memory_space<hbm>>
          %dma_wait3A_190 = tpu.memref_squeeze %dma_wait3A_189 : memref<1x4096xf32, #tpu.memory_space<hbm>> -> memref<4096xf32, #tpu.memory_space<hbm>>
          tpu.wait_dma2 semaphore(%arg23 : memref<!tpu.dma_semaphore, #tpu.memory_space<semaphore_mem>>) src(%arg19 : memref<4096xf32, #tpu.memory_space<vmem>>) dst(%dma_wait3A_190 : memref<4096xf32, #tpu.memory_space<hbm>>)
        } else {
        }
        %parallel_loop3A_149 = arith.constant 0 : i32
        %parallel_loop3A_150 = arith.constant 4096 : i32
        %parallel_loop3A_151 = arith.constant 16 : i32
        scf.for %parallel_loop3A_174 = %parallel_loop3A_149 to %parallel_loop3A_150 step %parallel_loop3A_151  : i32 {
          %parallel_loop3A_175 = tpu.assume_multiple %parallel_loop3A_174, 16 : i32
          %parallel_loop3A_176 = arith.index_cast %parallel_loop3A_175 : i32 to index
          %parallel_loop3A_177 = tpu.vector_load %arg16[%parallel_loop3A_176] {strides = array<i32>} : memref<4096xf32, #tpu.memory_space<vmem>>, vector<16xf32>,
          %parallel_loop3A_178 = arith.mulf %parallel_loop3A_177, %gather3A : vector<16xf32>
          %parallel_loop3A_179 = arith.index_cast %parallel_loop3A_175 : i32 to index
          %parallel_loop3A_180 = tpu.vector_load %arg17[%parallel_loop3A_179] {strides = array<i32>} : memref<4096xf32, #tpu.memory_space<vmem>>, vector<16xf32>,
          %parallel_loop3A_181 = arith.mulf %parallel_loop3A_180, %gather3A_34 : vector<16xf32>
          %parallel_loop3A_182 = arith.fptosi %parallel_loop3A_178 : vector<16xf32> to vector<16xi32>
          %parallel_loop3A_183 = arith.fptosi %parallel_loop3A_181 : vector<16xf32> to vector<16xi32>
          %parallel_loop3A_184 = arith.sitofp %parallel_loop3A_182 : vector<16xi32> to vector<16xf32>
          %parallel_loop3A_185 = arith.subf %parallel_loop3A_178, %parallel_loop3A_184 : vector<16xf32>
          %parallel_loop3A_186 = arith.sitofp %parallel_loop3A_183 : vector<16xi32> to vector<16xf32>
          %parallel_loop3A_187 = arith.subf %parallel_loop3A_181, %parallel_loop3A_186 : vector<16xf32>
          %parallel_loop3A_188 = arith.constant 1 : i32
          %parallel_loop3A_189 = vector.broadcast %parallel_loop3A_188 : i32 to vector<16xi32>
          %parallel_loop3A_190 = arith.addi %parallel_loop3A_182, %parallel_loop3A_189 : vector<16xi32>
          %parallel_loop3A_191 = arith.minsi %parallel_loop3A_190, %convert_element_type3A_35 : vector<16xi32>
          %parallel_loop3A_192 = arith.constant 1 : i32
          %parallel_loop3A_193 = vector.broadcast %parallel_loop3A_192 : i32 to vector<16xi32>
          %parallel_loop3A_194 = arith.addi %parallel_loop3A_183, %parallel_loop3A_193 : vector<16xi32>
          %parallel_loop3A_195 = arith.minsi %parallel_loop3A_194, %convert_element_type3A_36 : vector<16xi32>
          %parallel_loop3A_196 = arith.constant 16 : i32
          %parallel_loop3A_197 = vector.broadcast %parallel_loop3A_196 : i32 to vector<16xi32>
          %parallel_loop3A_198 = arith.muli %parallel_loop3A_182, %parallel_loop3A_197 : vector<16xi32>
          %parallel_loop3A_199 = arith.addi %parallel_loop3A_198, %parallel_loop3A_183 : vector<16xi32>
          %parallel_loop3A_200 = arith.constant 16 : i32
          %parallel_loop3A_201 = vector.broadcast %parallel_loop3A_200 : i32 to vector<16xi32>
          %parallel_loop3A_202 = arith.muli %parallel_loop3A_182, %parallel_loop3A_201 : vector<16xi32>
          %parallel_loop3A_203 = arith.addi %parallel_loop3A_202, %parallel_loop3A_195 : vector<16xi32>
          %parallel_loop3A_204 = arith.constant 16 : i32
          %parallel_loop3A_205 = vector.broadcast %parallel_loop3A_204 : i32 to vector<16xi32>
          %parallel_loop3A_206 = arith.muli %parallel_loop3A_191, %parallel_loop3A_205 : vector<16xi32>
          %parallel_loop3A_207 = arith.addi %parallel_loop3A_206, %parallel_loop3A_183 : vector<16xi32>
          %parallel_loop3A_208 = arith.constant 16 : i32
          %parallel_loop3A_209 = vector.broadcast %parallel_loop3A_208 : i32 to vector<16xi32>
          %parallel_loop3A_210 = arith.muli %parallel_loop3A_191, %parallel_loop3A_209 : vector<16xi32>
          %parallel_loop3A_211 = arith.addi %parallel_loop3A_210, %parallel_loop3A_195 : vector<16xi32>
          %parallel_loop3A_212 = tpu.vector_load_idx %arg8[%parallel_loop3A_199] : memref<256xf32, #tpu.memory_space<vmem>>[vector<16xi32>], vector<16xf32>,
          %parallel_loop3A_213 = tpu.vector_load_idx %arg8[%parallel_loop3A_203] : memref<256xf32, #tpu.memory_space<vmem>>[vector<16xi32>], vector<16xf32>,
          %parallel_loop3A_214 = tpu.vector_load_idx %arg8[%parallel_loop3A_207] : memref<256xf32, #tpu.memory_space<vmem>>[vector<16xi32>], vector<16xf32>,
          %parallel_loop3A_215 = tpu.vector_load_idx %arg8[%parallel_loop3A_211] : memref<256xf32, #tpu.memory_space<vmem>>[vector<16xi32>], vector<16xf32>,
          %parallel_loop3A_216 = tpu.vector_load_idx %arg9[%parallel_loop3A_199] : memref<256xf32, #tpu.memory_space<vmem>>[vector<16xi32>], vector<16xf32>,
          %parallel_loop3A_217 = tpu.vector_load_idx %arg9[%parallel_loop3A_203] : memref<256xf32, #tpu.memory_space<vmem>>[vector<16xi32>], vector<16xf32>,
          %parallel_loop3A_218 = tpu.vector_load_idx %arg9[%parallel_loop3A_207] : memref<256xf32, #tpu.memory_space<vmem>>[vector<16xi32>], vector<16xf32>,
          %parallel_loop3A_219 = tpu.vector_load_idx %arg9[%parallel_loop3A_211] : memref<256xf32, #tpu.memory_space<vmem>>[vector<16xi32>], vector<16xf32>,
          %parallel_loop3A_220 = arith.subf %parallel_loop3A_213, %parallel_loop3A_212 : vector<16xf32>
          %parallel_loop3A_221 = arith.mulf %parallel_loop3A_187, %parallel_loop3A_220 : vector<16xf32>
          %parallel_loop3A_222 = arith.addf %parallel_loop3A_212, %parallel_loop3A_221 : vector<16xf32>
          %parallel_loop3A_223 = arith.subf %parallel_loop3A_215, %parallel_loop3A_214 : vector<16xf32>
          %parallel_loop3A_224 = arith.mulf %parallel_loop3A_187, %parallel_loop3A_223 : vector<16xf32>
          %parallel_loop3A_225 = arith.addf %parallel_loop3A_214, %parallel_loop3A_224 : vector<16xf32>
          %parallel_loop3A_226 = arith.subf %parallel_loop3A_217, %parallel_loop3A_216 : vector<16xf32>
          %parallel_loop3A_227 = arith.mulf %parallel_loop3A_187, %parallel_loop3A_226 : vector<16xf32>
          %parallel_loop3A_228 = arith.addf %parallel_loop3A_216, %parallel_loop3A_227 : vector<16xf32>
          %parallel_loop3A_229 = arith.subf %parallel_loop3A_219, %parallel_loop3A_218 : vector<16xf32>
          %parallel_loop3A_230 = arith.mulf %parallel_loop3A_187, %parallel_loop3A_229 : vector<16xf32>
          %parallel_loop3A_231 = arith.addf %parallel_loop3A_218, %parallel_loop3A_230 : vector<16xf32>
          %parallel_loop3A_232 = arith.subf %parallel_loop3A_225, %parallel_loop3A_222 : vector<16xf32>
          %parallel_loop3A_233 = arith.mulf %parallel_loop3A_185, %parallel_loop3A_232 : vector<16xf32>
          %parallel_loop3A_234 = arith.addf %parallel_loop3A_222, %parallel_loop3A_233 : vector<16xf32>
          %parallel_loop3A_235 = arith.index_cast %parallel_loop3A_175 : i32 to index
          %parallel_loop3A_236 = tpu.vector_load %arg18[%parallel_loop3A_235] {strides = array<i32>} : memref<4096xf32, #tpu.memory_space<vmem>>, vector<16xf32>,
          tpu.vector_store %arg18[%parallel_loop3A_235], %parallel_loop3A_234 {strides = array<i32>} : memref<4096xf32, #tpu.memory_space<vmem>>, vector<16xf32>,
          %parallel_loop3A_237 = arith.subf %parallel_loop3A_231, %parallel_loop3A_228 : vector<16xf32>
          %parallel_loop3A_238 = arith.mulf %parallel_loop3A_185, %parallel_loop3A_237 : vector<16xf32>
          %parallel_loop3A_239 = arith.addf %parallel_loop3A_228, %parallel_loop3A_238 : vector<16xf32>
          %parallel_loop3A_240 = arith.index_cast %parallel_loop3A_175 : i32 to index
          %parallel_loop3A_241 = tpu.vector_load %arg19[%parallel_loop3A_240] {strides = array<i32>} : memref<4096xf32, #tpu.memory_space<vmem>>, vector<16xf32>,
          tpu.vector_store %arg19[%parallel_loop3A_240], %parallel_loop3A_239 {strides = array<i32>} : memref<4096xf32, #tpu.memory_space<vmem>>, vector<16xf32>,
        } {sc.loop_unroll_factor = 2 : i64, sc.parallel_access}
        %mul3A_152 = arith.constant 4096 : i32
        %mul3A_153 = arith.muli %add3A_130, %mul3A_152 : i32
        %add3A_154 = arith.addi %mul3A_0, %mul3A_153 : i32
        %mul3A_155 = arith.constant 2 : i32
        %mul3A_156 = arith.muli %mul3A_155, %arg1 : i32
        %dma_start3A_157 = tpu.memref_slice %arg6[%mul3A_156, %add3A_154] : memref<32x262144xf32, #tpu.memory_space<hbm>> -> memref<1x4096xf32, #tpu.memory_space<hbm>>
        %dma_start3A_158 = tpu.memref_squeeze %dma_start3A_157 : memref<1x4096xf32, #tpu.memory_space<hbm>> -> memref<4096xf32, #tpu.memory_space<hbm>>
        %dma_start3A_159 = tpu.memref_slice %arg6[%mul3A_156, %add3A_154] : memref<32x262144xf32, #tpu.memory_space<hbm>> -> memref<1x4096xf32, #tpu.memory_space<hbm>>
        %dma_start3A_160 = tpu.memref_squeeze %dma_start3A_159 : memref<1x4096xf32, #tpu.memory_space<hbm>> -> memref<4096xf32, #tpu.memory_space<hbm>>
        tpu.enqueue_dma source(%arg18 : memref<4096xf32, #tpu.memory_space<vmem>>) target(%dma_start3A_160 : memref<4096xf32, #tpu.memory_space<hbm>>) target_semaphore(%arg23 : memref<!tpu.dma_semaphore, #tpu.memory_space<semaphore_mem>>)
        %mul3A_161 = arith.constant 2 : i32
        %mul3A_162 = arith.muli %mul3A_161, %arg1 : i32
        %add3A_163 = arith.constant 1 : i32
        %add3A_164 = arith.addi %mul3A_162, %add3A_163 : i32
        %dma_start3A_165 = tpu.memref_slice %arg6[%add3A_164, %add3A_154] : memref<32x262144xf32, #tpu.memory_space<hbm>> -> memref<1x4096xf32, #tpu.memory_space<hbm>>
        %dma_start3A_166 = tpu.memref_squeeze %dma_start3A_165 : memref<1x4096xf32, #tpu.memory_space<hbm>> -> memref<4096xf32, #tpu.memory_space<hbm>>
        %dma_start3A_167 = tpu.memref_slice %arg6[%add3A_164, %add3A_154] : memref<32x262144xf32, #tpu.memory_space<hbm>> -> memref<1x4096xf32, #tpu.memory_space<hbm>>
        %dma_start3A_168 = tpu.memref_squeeze %dma_start3A_167 : memref<1x4096xf32, #tpu.memory_space<hbm>> -> memref<4096xf32, #tpu.memory_space<hbm>>
        tpu.enqueue_dma source(%arg19 : memref<4096xf32, #tpu.memory_space<vmem>>) target(%dma_start3A_168 : memref<4096xf32, #tpu.memory_space<hbm>>) target_semaphore(%arg23 : memref<!tpu.dma_semaphore, #tpu.memory_space<semaphore_mem>>)
        %lt3A_169 = arith.constant 15 : i32
        %lt3A_170 = arith.cmpi slt, %scan3A_83, %lt3A_169 : i32
        %convert_element_type3A_171 = arith.extui %lt3A_170 : i1 to i32
        %cond3A_172 = arith.constant 0 : i32
        %cond3A_173 = arith.cmpi ne, %convert_element_type3A_171, %cond3A_172 : i32
        scf.if %cond3A_173 {
          %add3A_174 = arith.constant 2 : i32
          %add3A_175 = arith.addi %add3A_130, %add3A_174 : i32
          %mul3A_176 = arith.constant 4096 : i32
          %mul3A_177 = arith.muli %add3A_175, %mul3A_176 : i32
          %add3A_178 = arith.addi %mul3A_0, %mul3A_177 : i32
          %dma_start3A_179 = arith.constant 0 : i32
          %dma_start3A_180 = tpu.memref_slice %arg2[%dma_start3A_179, %add3A_178] : memref<2x262144xf32, #tpu.memory_space<hbm>> -> memref<1x4096xf32, #tpu.memory_space<hbm>>
          %dma_start3A_181 = tpu.memref_squeeze %dma_start3A_180 : memref<1x4096xf32, #tpu.memory_space<hbm>> -> memref<4096xf32, #tpu.memory_space<hbm>>
          %dma_start3A_182 = tpu.memref_slice %arg2[%dma_start3A_179, %add3A_178] : memref<2x262144xf32, #tpu.memory_space<hbm>> -> memref<1x4096xf32, #tpu.memory_space<hbm>>
          %dma_start3A_183 = tpu.memref_squeeze %dma_start3A_182 : memref<1x4096xf32, #tpu.memory_space<hbm>> -> memref<4096xf32, #tpu.memory_space<hbm>>
          tpu.enqueue_dma source(%dma_start3A_183 : memref<4096xf32, #tpu.memory_space<hbm>>) target(%arg16 : memref<4096xf32, #tpu.memory_space<vmem>>) target_semaphore(%arg21 : memref<!tpu.dma_semaphore, #tpu.memory_space<semaphore_mem>>)
          %dma_start3A_184 = arith.constant 1 : i32
          %dma_start3A_185 = tpu.memref_slice %arg2[%dma_start3A_184, %add3A_178] : memref<2x262144xf32, #tpu.memory_space<hbm>> -> memref<1x4096xf32, #tpu.memory_space<hbm>>
          %dma_start3A_186 = tpu.memref_squeeze %dma_start3A_185 : memref<1x4096xf32, #tpu.memory_space<hbm>> -> memref<4096xf32, #tpu.memory_space<hbm>>
          %dma_start3A_187 = tpu.memref_slice %arg2[%dma_start3A_184, %add3A_178] : memref<2x262144xf32, #tpu.memory_space<hbm>> -> memref<1x4096xf32, #tpu.memory_space<hbm>>
          %dma_start3A_188 = tpu.memref_squeeze %dma_start3A_187 : memref<1x4096xf32, #tpu.memory_space<hbm>> -> memref<4096xf32, #tpu.memory_space<hbm>>
          tpu.enqueue_dma source(%dma_start3A_188 : memref<4096xf32, #tpu.memory_space<hbm>>) target(%arg17 : memref<4096xf32, #tpu.memory_space<vmem>>) target_semaphore(%arg21 : memref<!tpu.dma_semaphore, #tpu.memory_space<semaphore_mem>>)
        } else {
        }
      }
      %scan3A_51 = arith.constant 16 : i32
      %add3A_52 = arith.constant 0 : i32
      %add3A_53 = arith.addi %mul3A_0, %add3A_52 : i32
      %mul3A_54 = arith.constant 2 : i32
      %mul3A_55 = arith.muli %mul3A_54, %arg1 : i32
      %dma_wait3A = tpu.memref_slice %arg6[%mul3A_55, %add3A_53] : memref<32x262144xf32, #tpu.memory_space<hbm>> -> memref<1x4096xf32, #tpu.memory_space<hbm>>
      %dma_wait3A_56 = tpu.memref_squeeze %dma_wait3A : memref<1x4096xf32, #tpu.memory_space<hbm>> -> memref<4096xf32, #tpu.memory_space<hbm>>
      %dma_wait3A_57 = tpu.memref_slice %arg6[%mul3A_55, %add3A_53] : memref<32x262144xf32, #tpu.memory_space<hbm>> -> memref<1x4096xf32, #tpu.memory_space<hbm>>
      %dma_wait3A_58 = tpu.memref_squeeze %dma_wait3A_57 : memref<1x4096xf32, #tpu.memory_space<hbm>> -> memref<4096xf32, #tpu.memory_space<hbm>>
      tpu.wait_dma2 semaphore(%arg22 : memref<!tpu.dma_semaphore, #tpu.memory_space<semaphore_mem>>) src(%arg14 : memref<4096xf32, #tpu.memory_space<vmem>>) dst(%dma_wait3A_58 : memref<4096xf32, #tpu.memory_space<hbm>>)
      %mul3A_59 = arith.constant 2 : i32
      %mul3A_60 = arith.muli %mul3A_59, %arg1 : i32
      %add3A_61 = arith.constant 1 : i32
      %add3A_62 = arith.addi %mul3A_60, %add3A_61 : i32
      %dma_wait3A_63 = tpu.memref_slice %arg6[%add3A_62, %add3A_53] : memref<32x262144xf32, #tpu.memory_space<hbm>> -> memref<1x4096xf32, #tpu.memory_space<hbm>>
      %dma_wait3A_64 = tpu.memref_squeeze %dma_wait3A_63 : memref<1x4096xf32, #tpu.memory_space<hbm>> -> memref<4096xf32, #tpu.memory_space<hbm>>
      %dma_wait3A_65 = tpu.memref_slice %arg6[%add3A_62, %add3A_53] : memref<32x262144xf32, #tpu.memory_space<hbm>> -> memref<1x4096xf32, #tpu.memory_space<hbm>>
      %dma_wait3A_66 = tpu.memref_squeeze %dma_wait3A_65 : memref<1x4096xf32, #tpu.memory_space<hbm>> -> memref<4096xf32, #tpu.memory_space<hbm>>
      tpu.wait_dma2 semaphore(%arg22 : memref<!tpu.dma_semaphore, #tpu.memory_space<semaphore_mem>>) src(%arg15 : memref<4096xf32, #tpu.memory_space<vmem>>) dst(%dma_wait3A_66 : memref<4096xf32, #tpu.memory_space<hbm>>)
      %add3A_67 = arith.constant 0 : i32
      %add3A_68 = arith.addi %mul3A_0, %add3A_67 : i32
      %mul3A_69 = arith.constant 2 : i32
      %mul3A_70 = arith.muli %mul3A_69, %arg1 : i32
      %dma_wait3A_71 = tpu.memref_slice %arg6[%mul3A_70, %add3A_68] : memref<32x262144xf32, #tpu.memory_space<hbm>> -> memref<1x4096xf32, #tpu.memory_space<hbm>>
      %dma_wait3A_72 = tpu.memref_squeeze %dma_wait3A_71 : memref<1x4096xf32, #tpu.memory_space<hbm>> -> memref<4096xf32, #tpu.memory_space<hbm>>
      %dma_wait3A_73 = tpu.memref_slice %arg6[%mul3A_70, %add3A_68] : memref<32x262144xf32, #tpu.memory_space<hbm>> -> memref<1x4096xf32, #tpu.memory_space<hbm>>
      %dma_wait3A_74 = tpu.memref_squeeze %dma_wait3A_73 : memref<1x4096xf32, #tpu.memory_space<hbm>> -> memref<4096xf32, #tpu.memory_space<hbm>>
      tpu.wait_dma2 semaphore(%arg23 : memref<!tpu.dma_semaphore, #tpu.memory_space<semaphore_mem>>) src(%arg18 : memref<4096xf32, #tpu.memory_space<vmem>>) dst(%dma_wait3A_74 : memref<4096xf32, #tpu.memory_space<hbm>>)
      %mul3A_75 = arith.constant 2 : i32
      %mul3A_76 = arith.muli %mul3A_75, %arg1 : i32
      %add3A_77 = arith.constant 1 : i32
      %add3A_78 = arith.addi %mul3A_76, %add3A_77 : i32
      %dma_wait3A_79 = tpu.memref_slice %arg6[%add3A_78, %add3A_68] : memref<32x262144xf32, #tpu.memory_space<hbm>> -> memref<1x4096xf32, #tpu.memory_space<hbm>>
      %dma_wait3A_80 = tpu.memref_squeeze %dma_wait3A_79 : memref<1x4096xf32, #tpu.memory_space<hbm>> -> memref<4096xf32, #tpu.memory_space<hbm>>
      %dma_wait3A_81 = tpu.memref_slice %arg6[%add3A_78, %add3A_68] : memref<32x262144xf32, #tpu.memory_space<hbm>> -> memref<1x4096xf32, #tpu.memory_space<hbm>>
      %dma_wait3A_82 = tpu.memref_squeeze %dma_wait3A_81 : memref<1x4096xf32, #tpu.memory_space<hbm>> -> memref<4096xf32, #tpu.memory_space<hbm>>
      tpu.wait_dma2 semaphore(%arg23 : memref<!tpu.dma_semaphore, #tpu.memory_space<semaphore_mem>>) src(%arg19 : memref<4096xf32, #tpu.memory_space<vmem>>) dst(%dma_wait3A_82 : memref<4096xf32, #tpu.memory_space<hbm>>)
    } else {
    }
    %gt3A_42 = arith.constant 0 : i32
    %gt3A_43 = arith.cmpi sgt, %arg1, %gt3A_42 : i32
    %convert_element_type3A_44 = arith.extui %gt3A_43 : i1 to i32
    %cond3A_45 = arith.constant 0 : i32
    %cond3A_46 = arith.cmpi ne, %convert_element_type3A_44, %cond3A_45 : i32
    scf.if %cond3A_46 {
      %scan3A = arith.constant 0 : i32
      %scan3A_47 = arith.constant 0 : i32
      %scan3A_48 = arith.constant 16 : i32
      %scan3A_49 = arith.addi %scan3A_47, %scan3A_48 : i32
      %scan3A_50 = arith.constant 1 : i32
      scf.for %scan3A_83 = %scan3A_47 to %scan3A_49 step %scan3A_50  : i32 {
        %mul3A_84 = arith.constant 2 : i32
        %mul3A_85 = arith.muli %scan3A_83, %mul3A_84 : i32
        %add3A_86 = arith.constant 0 : i32
        %add3A_87 = arith.addi %mul3A_85, %add3A_86 : i32
        %mul3A_88 = arith.constant 4096 : i32
        %mul3A_89 = arith.muli %add3A_87, %mul3A_88 : i32
        %add3A_90 = arith.addi %mul3A_0, %mul3A_89 : i32
        %dma_wait3A_91 = arith.constant 0 : i32
        %dma_wait3A_92 = tpu.memref_slice %arg2[%dma_wait3A_91, %add3A_90] : memref<2x262144xf32, #tpu.memory_space<hbm>> -> memref<1x4096xf32, #tpu.memory_space<hbm>>
        %dma_wait3A_93 = tpu.memref_squeeze %dma_wait3A_92 : memref<1x4096xf32, #tpu.memory_space<hbm>> -> memref<4096xf32, #tpu.memory_space<hbm>>
        %dma_wait3A_94 = tpu.memref_slice %arg2[%dma_wait3A_91, %add3A_90] : memref<2x262144xf32, #tpu.memory_space<hbm>> -> memref<1x4096xf32, #tpu.memory_space<hbm>>
        %dma_wait3A_95 = tpu.memref_squeeze %dma_wait3A_94 : memref<1x4096xf32, #tpu.memory_space<hbm>> -> memref<4096xf32, #tpu.memory_space<hbm>>
        tpu.wait_dma2 semaphore(%arg20 : memref<!tpu.dma_semaphore, #tpu.memory_space<semaphore_mem>>) src(%dma_wait3A_95 : memref<4096xf32, #tpu.memory_space<hbm>>) dst(%arg12 : memref<4096xf32, #tpu.memory_space<vmem>>)
        %dma_wait3A_96 = arith.constant 1 : i32
        %dma_wait3A_97 = tpu.memref_slice %arg2[%dma_wait3A_96, %add3A_90] : memref<2x262144xf32, #tpu.memory_space<hbm>> -> memref<1x4096xf32, #tpu.memory_space<hbm>>
        %dma_wait3A_98 = tpu.memref_squeeze %dma_wait3A_97 : memref<1x4096xf32, #tpu.memory_space<hbm>> -> memref<4096xf32, #tpu.memory_space<hbm>>
        %dma_wait3A_99 = tpu.memref_slice %arg2[%dma_wait3A_96, %add3A_90] : memref<2x262144xf32, #tpu.memory_space<hbm>> -> memref<1x4096xf32, #tpu.memory_space<hbm>>
        %dma_wait3A_100 = tpu.memref_squeeze %dma_wait3A_99 : memref<1x4096xf32, #tpu.memory_space<hbm>> -> memref<4096xf32, #tpu.memory_space<hbm>>
        tpu.wait_dma2 semaphore(%arg20 : memref<!tpu.dma_semaphore, #tpu.memory_space<semaphore_mem>>) src(%dma_wait3A_100 : memref<4096xf32, #tpu.memory_space<hbm>>) dst(%arg13 : memref<4096xf32, #tpu.memory_space<vmem>>)
        %gt3A_101 = arith.constant 0 : i32
        %gt3A_102 = arith.cmpi sgt, %scan3A_83, %gt3A_101 : i32
        %convert_element_type3A_103 = arith.extui %gt3A_102 : i1 to i32
        %cond3A_104 = arith.constant 0 : i32
        %cond3A_105 = arith.cmpi ne, %convert_element_type3A_103, %cond3A_104 : i32
        scf.if %cond3A_105 {
          %mul3A_174 = arith.constant 4096 : i32
          %mul3A_175 = arith.muli %add3A_87, %mul3A_174 : i32
          %add3A_176 = arith.addi %mul3A_0, %mul3A_175 : i32
          %mul3A_177 = arith.constant 2 : i32
          %mul3A_178 = arith.muli %mul3A_177, %arg1 : i32
          %dma_wait3A_179 = tpu.memref_slice %arg6[%mul3A_178, %add3A_176] : memref<32x262144xf32, #tpu.memory_space<hbm>> -> memref<1x4096xf32, #tpu.memory_space<hbm>>
          %dma_wait3A_180 = tpu.memref_squeeze %dma_wait3A_179 : memref<1x4096xf32, #tpu.memory_space<hbm>> -> memref<4096xf32, #tpu.memory_space<hbm>>
          %dma_wait3A_181 = tpu.memref_slice %arg6[%mul3A_178, %add3A_176] : memref<32x262144xf32, #tpu.memory_space<hbm>> -> memref<1x4096xf32, #tpu.memory_space<hbm>>
          %dma_wait3A_182 = tpu.memref_squeeze %dma_wait3A_181 : memref<1x4096xf32, #tpu.memory_space<hbm>> -> memref<4096xf32, #tpu.memory_space<hbm>>
          tpu.wait_dma2 semaphore(%arg22 : memref<!tpu.dma_semaphore, #tpu.memory_space<semaphore_mem>>) src(%arg14 : memref<4096xf32, #tpu.memory_space<vmem>>) dst(%dma_wait3A_182 : memref<4096xf32, #tpu.memory_space<hbm>>)
          %mul3A_183 = arith.constant 2 : i32
          %mul3A_184 = arith.muli %mul3A_183, %arg1 : i32
          %add3A_185 = arith.constant 1 : i32
          %add3A_186 = arith.addi %mul3A_184, %add3A_185 : i32
          %dma_wait3A_187 = tpu.memref_slice %arg6[%add3A_186, %add3A_176] : memref<32x262144xf32, #tpu.memory_space<hbm>> -> memref<1x4096xf32, #tpu.memory_space<hbm>>
          %dma_wait3A_188 = tpu.memref_squeeze %dma_wait3A_187 : memref<1x4096xf32, #tpu.memory_space<hbm>> -> memref<4096xf32, #tpu.memory_space<hbm>>
          %dma_wait3A_189 = tpu.memref_slice %arg6[%add3A_186, %add3A_176] : memref<32x262144xf32, #tpu.memory_space<hbm>> -> memref<1x4096xf32, #tpu.memory_space<hbm>>
          %dma_wait3A_190 = tpu.memref_squeeze %dma_wait3A_189 : memref<1x4096xf32, #tpu.memory_space<hbm>> -> memref<4096xf32, #tpu.memory_space<hbm>>
          tpu.wait_dma2 semaphore(%arg22 : memref<!tpu.dma_semaphore, #tpu.memory_space<semaphore_mem>>) src(%arg15 : memref<4096xf32, #tpu.memory_space<vmem>>) dst(%dma_wait3A_190 : memref<4096xf32, #tpu.memory_space<hbm>>)
        } else {
        }
        %parallel_loop3A = arith.constant 0 : i32
        %parallel_loop3A_106 = arith.constant 4096 : i32
        %parallel_loop3A_107 = arith.constant 16 : i32
        scf.for %parallel_loop3A_174 = %parallel_loop3A to %parallel_loop3A_106 step %parallel_loop3A_107  : i32 {
          %parallel_loop3A_175 = tpu.assume_multiple %parallel_loop3A_174, 16 : i32
          %parallel_loop3A_176 = arith.index_cast %parallel_loop3A_175 : i32 to index
          %parallel_loop3A_177 = tpu.vector_load %arg12[%parallel_loop3A_176] {strides = array<i32>} : memref<4096xf32, #tpu.memory_space<vmem>>, vector<16xf32>,
          %parallel_loop3A_178 = arith.mulf %parallel_loop3A_177, %gather3A : vector<16xf32>
          %parallel_loop3A_179 = arith.index_cast %parallel_loop3A_175 : i32 to index
          %parallel_loop3A_180 = tpu.vector_load %arg13[%parallel_loop3A_179] {strides = array<i32>} : memref<4096xf32, #tpu.memory_space<vmem>>, vector<16xf32>,
          %parallel_loop3A_181 = arith.mulf %parallel_loop3A_180, %gather3A_34 : vector<16xf32>
          %parallel_loop3A_182 = arith.fptosi %parallel_loop3A_178 : vector<16xf32> to vector<16xi32>
          %parallel_loop3A_183 = arith.fptosi %parallel_loop3A_181 : vector<16xf32> to vector<16xi32>
          %parallel_loop3A_184 = arith.sitofp %parallel_loop3A_182 : vector<16xi32> to vector<16xf32>
          %parallel_loop3A_185 = arith.subf %parallel_loop3A_178, %parallel_loop3A_184 : vector<16xf32>
          %parallel_loop3A_186 = arith.sitofp %parallel_loop3A_183 : vector<16xi32> to vector<16xf32>
          %parallel_loop3A_187 = arith.subf %parallel_loop3A_181, %parallel_loop3A_186 : vector<16xf32>
          %parallel_loop3A_188 = arith.constant 1 : i32
          %parallel_loop3A_189 = vector.broadcast %parallel_loop3A_188 : i32 to vector<16xi32>
          %parallel_loop3A_190 = arith.addi %parallel_loop3A_182, %parallel_loop3A_189 : vector<16xi32>
          %parallel_loop3A_191 = arith.constant 1 : i32
          %parallel_loop3A_192 = vector.broadcast %parallel_loop3A_191 : i32 to vector<16xi32>
          %parallel_loop3A_193 = arith.addi %parallel_loop3A_183, %parallel_loop3A_192 : vector<16xi32>
          %parallel_loop3A_194 = arith.constant -1640531535 : i32
          %parallel_loop3A_195 = vector.broadcast %parallel_loop3A_194 : i32 to vector<16xi32>
          %parallel_loop3A_196 = arith.muli %parallel_loop3A_183, %parallel_loop3A_195 : vector<16xi32>
          %parallel_loop3A_197 = arith.constant -1640531535 : i32
          %parallel_loop3A_198 = vector.broadcast %parallel_loop3A_197 : i32 to vector<16xi32>
          %parallel_loop3A_199 = arith.muli %parallel_loop3A_193, %parallel_loop3A_198 : vector<16xi32>
          %parallel_loop3A_200 = arith.xori %parallel_loop3A_182, %parallel_loop3A_196 : vector<16xi32>
          %parallel_loop3A_201 = arith.constant 16383 : i32
          %parallel_loop3A_202 = vector.broadcast %parallel_loop3A_201 : i32 to vector<16xi32>
          %parallel_loop3A_203 = arith.andi %parallel_loop3A_200, %parallel_loop3A_202 : vector<16xi32>
          %parallel_loop3A_204 = arith.xori %parallel_loop3A_182, %parallel_loop3A_199 : vector<16xi32>
          %parallel_loop3A_205 = arith.constant 16383 : i32
          %parallel_loop3A_206 = vector.broadcast %parallel_loop3A_205 : i32 to vector<16xi32>
          %parallel_loop3A_207 = arith.andi %parallel_loop3A_204, %parallel_loop3A_206 : vector<16xi32>
          %parallel_loop3A_208 = arith.xori %parallel_loop3A_190, %parallel_loop3A_196 : vector<16xi32>
          %parallel_loop3A_209 = arith.constant 16383 : i32
          %parallel_loop3A_210 = vector.broadcast %parallel_loop3A_209 : i32 to vector<16xi32>
          %parallel_loop3A_211 = arith.andi %parallel_loop3A_208, %parallel_loop3A_210 : vector<16xi32>
          %parallel_loop3A_212 = arith.xori %parallel_loop3A_190, %parallel_loop3A_199 : vector<16xi32>
          %parallel_loop3A_213 = arith.constant 16383 : i32
          %parallel_loop3A_214 = vector.broadcast %parallel_loop3A_213 : i32 to vector<16xi32>
          %parallel_loop3A_215 = arith.andi %parallel_loop3A_212, %parallel_loop3A_214 : vector<16xi32>
          %parallel_loop3A_216 = tpu.vector_load_idx %arg10[%parallel_loop3A_203] : memref<16384xf32, #tpu.memory_space<vmem>>[vector<16xi32>], vector<16xf32>,
          %parallel_loop3A_217 = tpu.vector_load_idx %arg10[%parallel_loop3A_207] : memref<16384xf32, #tpu.memory_space<vmem>>[vector<16xi32>], vector<16xf32>,
          %parallel_loop3A_218 = tpu.vector_load_idx %arg10[%parallel_loop3A_211] : memref<16384xf32, #tpu.memory_space<vmem>>[vector<16xi32>], vector<16xf32>,
          %parallel_loop3A_219 = tpu.vector_load_idx %arg10[%parallel_loop3A_215] : memref<16384xf32, #tpu.memory_space<vmem>>[vector<16xi32>], vector<16xf32>,
          %parallel_loop3A_220 = tpu.vector_load_idx %arg11[%parallel_loop3A_203] : memref<16384xf32, #tpu.memory_space<vmem>>[vector<16xi32>], vector<16xf32>,
          %parallel_loop3A_221 = tpu.vector_load_idx %arg11[%parallel_loop3A_207] : memref<16384xf32, #tpu.memory_space<vmem>>[vector<16xi32>], vector<16xf32>,
          %parallel_loop3A_222 = tpu.vector_load_idx %arg11[%parallel_loop3A_211] : memref<16384xf32, #tpu.memory_space<vmem>>[vector<16xi32>], vector<16xf32>,
          %parallel_loop3A_223 = tpu.vector_load_idx %arg11[%parallel_loop3A_215] : memref<16384xf32, #tpu.memory_space<vmem>>[vector<16xi32>], vector<16xf32>,
          %parallel_loop3A_224 = arith.subf %parallel_loop3A_217, %parallel_loop3A_216 : vector<16xf32>
          %parallel_loop3A_225 = arith.mulf %parallel_loop3A_187, %parallel_loop3A_224 : vector<16xf32>
          %parallel_loop3A_226 = arith.addf %parallel_loop3A_216, %parallel_loop3A_225 : vector<16xf32>
          %parallel_loop3A_227 = arith.subf %parallel_loop3A_219, %parallel_loop3A_218 : vector<16xf32>
          %parallel_loop3A_228 = arith.mulf %parallel_loop3A_187, %parallel_loop3A_227 : vector<16xf32>
          %parallel_loop3A_229 = arith.addf %parallel_loop3A_218, %parallel_loop3A_228 : vector<16xf32>
          %parallel_loop3A_230 = arith.subf %parallel_loop3A_221, %parallel_loop3A_220 : vector<16xf32>
          %parallel_loop3A_231 = arith.mulf %parallel_loop3A_187, %parallel_loop3A_230 : vector<16xf32>
          %parallel_loop3A_232 = arith.addf %parallel_loop3A_220, %parallel_loop3A_231 : vector<16xf32>
          %parallel_loop3A_233 = arith.subf %parallel_loop3A_223, %parallel_loop3A_222 : vector<16xf32>
          %parallel_loop3A_234 = arith.mulf %parallel_loop3A_187, %parallel_loop3A_233 : vector<16xf32>
          %parallel_loop3A_235 = arith.addf %parallel_loop3A_222, %parallel_loop3A_234 : vector<16xf32>
          %parallel_loop3A_236 = arith.subf %parallel_loop3A_229, %parallel_loop3A_226 : vector<16xf32>
          %parallel_loop3A_237 = arith.mulf %parallel_loop3A_185, %parallel_loop3A_236 : vector<16xf32>
          %parallel_loop3A_238 = arith.addf %parallel_loop3A_226, %parallel_loop3A_237 : vector<16xf32>
          %parallel_loop3A_239 = arith.index_cast %parallel_loop3A_175 : i32 to index
          %parallel_loop3A_240 = tpu.vector_load %arg14[%parallel_loop3A_239] {strides = array<i32>} : memref<4096xf32, #tpu.memory_space<vmem>>, vector<16xf32>,
          tpu.vector_store %arg14[%parallel_loop3A_239], %parallel_loop3A_238 {strides = array<i32>} : memref<4096xf32, #tpu.memory_space<vmem>>, vector<16xf32>,
          %parallel_loop3A_241 = arith.subf %parallel_loop3A_235, %parallel_loop3A_232 : vector<16xf32>
          %parallel_loop3A_242 = arith.mulf %parallel_loop3A_185, %parallel_loop3A_241 : vector<16xf32>
          %parallel_loop3A_243 = arith.addf %parallel_loop3A_232, %parallel_loop3A_242 : vector<16xf32>
          %parallel_loop3A_244 = arith.index_cast %parallel_loop3A_175 : i32 to index
          %parallel_loop3A_245 = tpu.vector_load %arg15[%parallel_loop3A_244] {strides = array<i32>} : memref<4096xf32, #tpu.memory_space<vmem>>, vector<16xf32>,
          tpu.vector_store %arg15[%parallel_loop3A_244], %parallel_loop3A_243 {strides = array<i32>} : memref<4096xf32, #tpu.memory_space<vmem>>, vector<16xf32>,
        } {sc.loop_unroll_factor = 2 : i64, sc.parallel_access}
        %mul3A_108 = arith.constant 4096 : i32
        %mul3A_109 = arith.muli %add3A_87, %mul3A_108 : i32
        %add3A_110 = arith.addi %mul3A_0, %mul3A_109 : i32
        %mul3A_111 = arith.constant 2 : i32
        %mul3A_112 = arith.muli %mul3A_111, %arg1 : i32
        %dma_start3A_113 = tpu.memref_slice %arg6[%mul3A_112, %add3A_110] : memref<32x262144xf32, #tpu.memory_space<hbm>> -> memref<1x4096xf32, #tpu.memory_space<hbm>>
        %dma_start3A_114 = tpu.memref_squeeze %dma_start3A_113 : memref<1x4096xf32, #tpu.memory_space<hbm>> -> memref<4096xf32, #tpu.memory_space<hbm>>
        %dma_start3A_115 = tpu.memref_slice %arg6[%mul3A_112, %add3A_110] : memref<32x262144xf32, #tpu.memory_space<hbm>> -> memref<1x4096xf32, #tpu.memory_space<hbm>>
        %dma_start3A_116 = tpu.memref_squeeze %dma_start3A_115 : memref<1x4096xf32, #tpu.memory_space<hbm>> -> memref<4096xf32, #tpu.memory_space<hbm>>
        tpu.enqueue_dma source(%arg14 : memref<4096xf32, #tpu.memory_space<vmem>>) target(%dma_start3A_116 : memref<4096xf32, #tpu.memory_space<hbm>>) target_semaphore(%arg22 : memref<!tpu.dma_semaphore, #tpu.memory_space<semaphore_mem>>)
        %mul3A_117 = arith.constant 2 : i32
        %mul3A_118 = arith.muli %mul3A_117, %arg1 : i32
        %add3A_119 = arith.constant 1 : i32
        %add3A_120 = arith.addi %mul3A_118, %add3A_119 : i32
        %dma_start3A_121 = tpu.memref_slice %arg6[%add3A_120, %add3A_110] : memref<32x262144xf32, #tpu.memory_space<hbm>> -> memref<1x4096xf32, #tpu.memory_space<hbm>>
        %dma_start3A_122 = tpu.memref_squeeze %dma_start3A_121 : memref<1x4096xf32, #tpu.memory_space<hbm>> -> memref<4096xf32, #tpu.memory_space<hbm>>
        %dma_start3A_123 = tpu.memref_slice %arg6[%add3A_120, %add3A_110] : memref<32x262144xf32, #tpu.memory_space<hbm>> -> memref<1x4096xf32, #tpu.memory_space<hbm>>
        %dma_start3A_124 = tpu.memref_squeeze %dma_start3A_123 : memref<1x4096xf32, #tpu.memory_space<hbm>> -> memref<4096xf32, #tpu.memory_space<hbm>>
        tpu.enqueue_dma source(%arg15 : memref<4096xf32, #tpu.memory_space<vmem>>) target(%dma_start3A_124 : memref<4096xf32, #tpu.memory_space<hbm>>) target_semaphore(%arg22 : memref<!tpu.dma_semaphore, #tpu.memory_space<semaphore_mem>>)
        %lt3A = arith.constant 15 : i32
        %lt3A_125 = arith.cmpi slt, %scan3A_83, %lt3A : i32
        %convert_element_type3A_126 = arith.extui %lt3A_125 : i1 to i32
        %cond3A_127 = arith.constant 0 : i32
        %cond3A_128 = arith.cmpi ne, %convert_element_type3A_126, %cond3A_127 : i32
        scf.if %cond3A_128 {
          %add3A_174 = arith.constant 2 : i32
          %add3A_175 = arith.addi %add3A_87, %add3A_174 : i32
          %mul3A_176 = arith.constant 4096 : i32
          %mul3A_177 = arith.muli %add3A_175, %mul3A_176 : i32
          %add3A_178 = arith.addi %mul3A_0, %mul3A_177 : i32
          %dma_start3A_179 = arith.constant 0 : i32
          %dma_start3A_180 = tpu.memref_slice %arg2[%dma_start3A_179, %add3A_178] : memref<2x262144xf32, #tpu.memory_space<hbm>> -> memref<1x4096xf32, #tpu.memory_space<hbm>>
          %dma_start3A_181 = tpu.memref_squeeze %dma_start3A_180 : memref<1x4096xf32, #tpu.memory_space<hbm>> -> memref<4096xf32, #tpu.memory_space<hbm>>
          %dma_start3A_182 = tpu.memref_slice %arg2[%dma_start3A_179, %add3A_178] : memref<2x262144xf32, #tpu.memory_space<hbm>> -> memref<1x4096xf32, #tpu.memory_space<hbm>>
          %dma_start3A_183 = tpu.memref_squeeze %dma_start3A_182 : memref<1x4096xf32, #tpu.memory_space<hbm>> -> memref<4096xf32, #tpu.memory_space<hbm>>
          tpu.enqueue_dma source(%dma_start3A_183 : memref<4096xf32, #tpu.memory_space<hbm>>) target(%arg12 : memref<4096xf32, #tpu.memory_space<vmem>>) target_semaphore(%arg20 : memref<!tpu.dma_semaphore, #tpu.memory_space<semaphore_mem>>)
          %dma_start3A_184 = arith.constant 1 : i32
          %dma_start3A_185 = tpu.memref_slice %arg2[%dma_start3A_184, %add3A_178] : memref<2x262144xf32, #tpu.memory_space<hbm>> -> memref<1x4096xf32, #tpu.memory_space<hbm>>
          %dma_start3A_186 = tpu.memref_squeeze %dma_start3A_185 : memref<1x4096xf32, #tpu.memory_space<hbm>> -> memref<4096xf32, #tpu.memory_space<hbm>>
          %dma_start3A_187 = tpu.memref_slice %arg2[%dma_start3A_184, %add3A_178] : memref<2x262144xf32, #tpu.memory_space<hbm>> -> memref<1x4096xf32, #tpu.memory_space<hbm>>
          %dma_start3A_188 = tpu.memref_squeeze %dma_start3A_187 : memref<1x4096xf32, #tpu.memory_space<hbm>> -> memref<4096xf32, #tpu.memory_space<hbm>>
          tpu.enqueue_dma source(%dma_start3A_188 : memref<4096xf32, #tpu.memory_space<hbm>>) target(%arg13 : memref<4096xf32, #tpu.memory_space<vmem>>) target_semaphore(%arg20 : memref<!tpu.dma_semaphore, #tpu.memory_space<semaphore_mem>>)
        } else {
        }
        %add3A_129 = arith.constant 1 : i32
        %add3A_130 = arith.addi %mul3A_85, %add3A_129 : i32
        %mul3A_131 = arith.constant 4096 : i32
        %mul3A_132 = arith.muli %add3A_130, %mul3A_131 : i32
        %add3A_133 = arith.addi %mul3A_0, %mul3A_132 : i32
        %dma_wait3A_134 = arith.constant 0 : i32
        %dma_wait3A_135 = tpu.memref_slice %arg2[%dma_wait3A_134, %add3A_133] : memref<2x262144xf32, #tpu.memory_space<hbm>> -> memref<1x4096xf32, #tpu.memory_space<hbm>>
        %dma_wait3A_136 = tpu.memref_squeeze %dma_wait3A_135 : memref<1x4096xf32, #tpu.memory_space<hbm>> -> memref<4096xf32, #tpu.memory_space<hbm>>
        %dma_wait3A_137 = tpu.memref_slice %arg2[%dma_wait3A_134, %add3A_133] : memref<2x262144xf32, #tpu.memory_space<hbm>> -> memref<1x4096xf32, #tpu.memory_space<hbm>>
        %dma_wait3A_138 = tpu.memref_squeeze %dma_wait3A_137 : memref<1x4096xf32, #tpu.memory_space<hbm>> -> memref<4096xf32, #tpu.memory_space<hbm>>
        tpu.wait_dma2 semaphore(%arg21 : memref<!tpu.dma_semaphore, #tpu.memory_space<semaphore_mem>>) src(%dma_wait3A_138 : memref<4096xf32, #tpu.memory_space<hbm>>) dst(%arg16 : memref<4096xf32, #tpu.memory_space<vmem>>)
        %dma_wait3A_139 = arith.constant 1 : i32
        %dma_wait3A_140 = tpu.memref_slice %arg2[%dma_wait3A_139, %add3A_133] : memref<2x262144xf32, #tpu.memory_space<hbm>> -> memref<1x4096xf32, #tpu.memory_space<hbm>>
        %dma_wait3A_141 = tpu.memref_squeeze %dma_wait3A_140 : memref<1x4096xf32, #tpu.memory_space<hbm>> -> memref<4096xf32, #tpu.memory_space<hbm>>
        %dma_wait3A_142 = tpu.memref_slice %arg2[%dma_wait3A_139, %add3A_133] : memref<2x262144xf32, #tpu.memory_space<hbm>> -> memref<1x4096xf32, #tpu.memory_space<hbm>>
        %dma_wait3A_143 = tpu.memref_squeeze %dma_wait3A_142 : memref<1x4096xf32, #tpu.memory_space<hbm>> -> memref<4096xf32, #tpu.memory_space<hbm>>
        tpu.wait_dma2 semaphore(%arg21 : memref<!tpu.dma_semaphore, #tpu.memory_space<semaphore_mem>>) src(%dma_wait3A_143 : memref<4096xf32, #tpu.memory_space<hbm>>) dst(%arg17 : memref<4096xf32, #tpu.memory_space<vmem>>)
        %gt3A_144 = arith.constant 0 : i32
        %gt3A_145 = arith.cmpi sgt, %scan3A_83, %gt3A_144 : i32
        %convert_element_type3A_146 = arith.extui %gt3A_145 : i1 to i32
        %cond3A_147 = arith.constant 0 : i32
        %cond3A_148 = arith.cmpi ne, %convert_element_type3A_146, %cond3A_147 : i32
        scf.if %cond3A_148 {
          %mul3A_174 = arith.constant 4096 : i32
          %mul3A_175 = arith.muli %add3A_130, %mul3A_174 : i32
          %add3A_176 = arith.addi %mul3A_0, %mul3A_175 : i32
          %mul3A_177 = arith.constant 2 : i32
          %mul3A_178 = arith.muli %mul3A_177, %arg1 : i32
          %dma_wait3A_179 = tpu.memref_slice %arg6[%mul3A_178, %add3A_176] : memref<32x262144xf32, #tpu.memory_space<hbm>> -> memref<1x4096xf32, #tpu.memory_space<hbm>>
          %dma_wait3A_180 = tpu.memref_squeeze %dma_wait3A_179 : memref<1x4096xf32, #tpu.memory_space<hbm>> -> memref<4096xf32, #tpu.memory_space<hbm>>
          %dma_wait3A_181 = tpu.memref_slice %arg6[%mul3A_178, %add3A_176] : memref<32x262144xf32, #tpu.memory_space<hbm>> -> memref<1x4096xf32, #tpu.memory_space<hbm>>
          %dma_wait3A_182 = tpu.memref_squeeze %dma_wait3A_181 : memref<1x4096xf32, #tpu.memory_space<hbm>> -> memref<4096xf32, #tpu.memory_space<hbm>>
          tpu.wait_dma2 semaphore(%arg23 : memref<!tpu.dma_semaphore, #tpu.memory_space<semaphore_mem>>) src(%arg18 : memref<4096xf32, #tpu.memory_space<vmem>>) dst(%dma_wait3A_182 : memref<4096xf32, #tpu.memory_space<hbm>>)
          %mul3A_183 = arith.constant 2 : i32
          %mul3A_184 = arith.muli %mul3A_183, %arg1 : i32
          %add3A_185 = arith.constant 1 : i32
          %add3A_186 = arith.addi %mul3A_184, %add3A_185 : i32
          %dma_wait3A_187 = tpu.memref_slice %arg6[%add3A_186, %add3A_176] : memref<32x262144xf32, #tpu.memory_space<hbm>> -> memref<1x4096xf32, #tpu.memory_space<hbm>>
          %dma_wait3A_188 = tpu.memref_squeeze %dma_wait3A_187 : memref<1x4096xf32, #tpu.memory_space<hbm>> -> memref<4096xf32, #tpu.memory_space<hbm>>
          %dma_wait3A_189 = tpu.memref_slice %arg6[%add3A_186, %add3A_176] : memref<32x262144xf32, #tpu.memory_space<hbm>> -> memref<1x4096xf32, #tpu.memory_space<hbm>>
          %dma_wait3A_190 = tpu.memref_squeeze %dma_wait3A_189 : memref<1x4096xf32, #tpu.memory_space<hbm>> -> memref<4096xf32, #tpu.memory_space<hbm>>
          tpu.wait_dma2 semaphore(%arg23 : memref<!tpu.dma_semaphore, #tpu.memory_space<semaphore_mem>>) src(%arg19 : memref<4096xf32, #tpu.memory_space<vmem>>) dst(%dma_wait3A_190 : memref<4096xf32, #tpu.memory_space<hbm>>)
        } else {
        }
        %parallel_loop3A_149 = arith.constant 0 : i32
        %parallel_loop3A_150 = arith.constant 4096 : i32
        %parallel_loop3A_151 = arith.constant 16 : i32
        scf.for %parallel_loop3A_174 = %parallel_loop3A_149 to %parallel_loop3A_150 step %parallel_loop3A_151  : i32 {
          %parallel_loop3A_175 = tpu.assume_multiple %parallel_loop3A_174, 16 : i32
          %parallel_loop3A_176 = arith.index_cast %parallel_loop3A_175 : i32 to index
          %parallel_loop3A_177 = tpu.vector_load %arg16[%parallel_loop3A_176] {strides = array<i32>} : memref<4096xf32, #tpu.memory_space<vmem>>, vector<16xf32>,
          %parallel_loop3A_178 = arith.mulf %parallel_loop3A_177, %gather3A : vector<16xf32>
          %parallel_loop3A_179 = arith.index_cast %parallel_loop3A_175 : i32 to index
          %parallel_loop3A_180 = tpu.vector_load %arg17[%parallel_loop3A_179] {strides = array<i32>} : memref<4096xf32, #tpu.memory_space<vmem>>, vector<16xf32>,
          %parallel_loop3A_181 = arith.mulf %parallel_loop3A_180, %gather3A_34 : vector<16xf32>
          %parallel_loop3A_182 = arith.fptosi %parallel_loop3A_178 : vector<16xf32> to vector<16xi32>
          %parallel_loop3A_183 = arith.fptosi %parallel_loop3A_181 : vector<16xf32> to vector<16xi32>
          %parallel_loop3A_184 = arith.sitofp %parallel_loop3A_182 : vector<16xi32> to vector<16xf32>
          %parallel_loop3A_185 = arith.subf %parallel_loop3A_178, %parallel_loop3A_184 : vector<16xf32>
          %parallel_loop3A_186 = arith.sitofp %parallel_loop3A_183 : vector<16xi32> to vector<16xf32>
          %parallel_loop3A_187 = arith.subf %parallel_loop3A_181, %parallel_loop3A_186 : vector<16xf32>
          %parallel_loop3A_188 = arith.constant 1 : i32
          %parallel_loop3A_189 = vector.broadcast %parallel_loop3A_188 : i32 to vector<16xi32>
          %parallel_loop3A_190 = arith.addi %parallel_loop3A_182, %parallel_loop3A_189 : vector<16xi32>
          %parallel_loop3A_191 = arith.constant 1 : i32
          %parallel_loop3A_192 = vector.broadcast %parallel_loop3A_191 : i32 to vector<16xi32>
          %parallel_loop3A_193 = arith.addi %parallel_loop3A_183, %parallel_loop3A_192 : vector<16xi32>
          %parallel_loop3A_194 = arith.constant -1640531535 : i32
          %parallel_loop3A_195 = vector.broadcast %parallel_loop3A_194 : i32 to vector<16xi32>
          %parallel_loop3A_196 = arith.muli %parallel_loop3A_183, %parallel_loop3A_195 : vector<16xi32>
          %parallel_loop3A_197 = arith.constant -1640531535 : i32
          %parallel_loop3A_198 = vector.broadcast %parallel_loop3A_197 : i32 to vector<16xi32>
          %parallel_loop3A_199 = arith.muli %parallel_loop3A_193, %parallel_loop3A_198 : vector<16xi32>
          %parallel_loop3A_200 = arith.xori %parallel_loop3A_182, %parallel_loop3A_196 : vector<16xi32>
          %parallel_loop3A_201 = arith.constant 16383 : i32
          %parallel_loop3A_202 = vector.broadcast %parallel_loop3A_201 : i32 to vector<16xi32>
          %parallel_loop3A_203 = arith.andi %parallel_loop3A_200, %parallel_loop3A_202 : vector<16xi32>
          %parallel_loop3A_204 = arith.xori %parallel_loop3A_182, %parallel_loop3A_199 : vector<16xi32>
          %parallel_loop3A_205 = arith.constant 16383 : i32
          %parallel_loop3A_206 = vector.broadcast %parallel_loop3A_205 : i32 to vector<16xi32>
          %parallel_loop3A_207 = arith.andi %parallel_loop3A_204, %parallel_loop3A_206 : vector<16xi32>
          %parallel_loop3A_208 = arith.xori %parallel_loop3A_190, %parallel_loop3A_196 : vector<16xi32>
          %parallel_loop3A_209 = arith.constant 16383 : i32
          %parallel_loop3A_210 = vector.broadcast %parallel_loop3A_209 : i32 to vector<16xi32>
          %parallel_loop3A_211 = arith.andi %parallel_loop3A_208, %parallel_loop3A_210 : vector<16xi32>
          %parallel_loop3A_212 = arith.xori %parallel_loop3A_190, %parallel_loop3A_199 : vector<16xi32>
          %parallel_loop3A_213 = arith.constant 16383 : i32
          %parallel_loop3A_214 = vector.broadcast %parallel_loop3A_213 : i32 to vector<16xi32>
          %parallel_loop3A_215 = arith.andi %parallel_loop3A_212, %parallel_loop3A_214 : vector<16xi32>
          %parallel_loop3A_216 = tpu.vector_load_idx %arg10[%parallel_loop3A_203] : memref<16384xf32, #tpu.memory_space<vmem>>[vector<16xi32>], vector<16xf32>,
          %parallel_loop3A_217 = tpu.vector_load_idx %arg10[%parallel_loop3A_207] : memref<16384xf32, #tpu.memory_space<vmem>>[vector<16xi32>], vector<16xf32>,
          %parallel_loop3A_218 = tpu.vector_load_idx %arg10[%parallel_loop3A_211] : memref<16384xf32, #tpu.memory_space<vmem>>[vector<16xi32>], vector<16xf32>,
          %parallel_loop3A_219 = tpu.vector_load_idx %arg10[%parallel_loop3A_215] : memref<16384xf32, #tpu.memory_space<vmem>>[vector<16xi32>], vector<16xf32>,
          %parallel_loop3A_220 = tpu.vector_load_idx %arg11[%parallel_loop3A_203] : memref<16384xf32, #tpu.memory_space<vmem>>[vector<16xi32>], vector<16xf32>,
          %parallel_loop3A_221 = tpu.vector_load_idx %arg11[%parallel_loop3A_207] : memref<16384xf32, #tpu.memory_space<vmem>>[vector<16xi32>], vector<16xf32>,
          %parallel_loop3A_222 = tpu.vector_load_idx %arg11[%parallel_loop3A_211] : memref<16384xf32, #tpu.memory_space<vmem>>[vector<16xi32>], vector<16xf32>,
          %parallel_loop3A_223 = tpu.vector_load_idx %arg11[%parallel_loop3A_215] : memref<16384xf32, #tpu.memory_space<vmem>>[vector<16xi32>], vector<16xf32>,
          %parallel_loop3A_224 = arith.subf %parallel_loop3A_217, %parallel_loop3A_216 : vector<16xf32>
          %parallel_loop3A_225 = arith.mulf %parallel_loop3A_187, %parallel_loop3A_224 : vector<16xf32>
          %parallel_loop3A_226 = arith.addf %parallel_loop3A_216, %parallel_loop3A_225 : vector<16xf32>
          %parallel_loop3A_227 = arith.subf %parallel_loop3A_219, %parallel_loop3A_218 : vector<16xf32>
          %parallel_loop3A_228 = arith.mulf %parallel_loop3A_187, %parallel_loop3A_227 : vector<16xf32>
          %parallel_loop3A_229 = arith.addf %parallel_loop3A_218, %parallel_loop3A_228 : vector<16xf32>
          %parallel_loop3A_230 = arith.subf %parallel_loop3A_221, %parallel_loop3A_220 : vector<16xf32>
          %parallel_loop3A_231 = arith.mulf %parallel_loop3A_187, %parallel_loop3A_230 : vector<16xf32>
          %parallel_loop3A_232 = arith.addf %parallel_loop3A_220, %parallel_loop3A_231 : vector<16xf32>
          %parallel_loop3A_233 = arith.subf %parallel_loop3A_223, %parallel_loop3A_222 : vector<16xf32>
          %parallel_loop3A_234 = arith.mulf %parallel_loop3A_187, %parallel_loop3A_233 : vector<16xf32>
          %parallel_loop3A_235 = arith.addf %parallel_loop3A_222, %parallel_loop3A_234 : vector<16xf32>
          %parallel_loop3A_236 = arith.subf %parallel_loop3A_229, %parallel_loop3A_226 : vector<16xf32>
          %parallel_loop3A_237 = arith.mulf %parallel_loop3A_185, %parallel_loop3A_236 : vector<16xf32>
          %parallel_loop3A_238 = arith.addf %parallel_loop3A_226, %parallel_loop3A_237 : vector<16xf32>
          %parallel_loop3A_239 = arith.index_cast %parallel_loop3A_175 : i32 to index
          %parallel_loop3A_240 = tpu.vector_load %arg18[%parallel_loop3A_239] {strides = array<i32>} : memref<4096xf32, #tpu.memory_space<vmem>>, vector<16xf32>,
          tpu.vector_store %arg18[%parallel_loop3A_239], %parallel_loop3A_238 {strides = array<i32>} : memref<4096xf32, #tpu.memory_space<vmem>>, vector<16xf32>,
          %parallel_loop3A_241 = arith.subf %parallel_loop3A_235, %parallel_loop3A_232 : vector<16xf32>
          %parallel_loop3A_242 = arith.mulf %parallel_loop3A_185, %parallel_loop3A_241 : vector<16xf32>
          %parallel_loop3A_243 = arith.addf %parallel_loop3A_232, %parallel_loop3A_242 : vector<16xf32>
          %parallel_loop3A_244 = arith.index_cast %parallel_loop3A_175 : i32 to index
          %parallel_loop3A_245 = tpu.vector_load %arg19[%parallel_loop3A_244] {strides = array<i32>} : memref<4096xf32, #tpu.memory_space<vmem>>, vector<16xf32>,
          tpu.vector_store %arg19[%parallel_loop3A_244], %parallel_loop3A_243 {strides = array<i32>} : memref<4096xf32, #tpu.memory_space<vmem>>, vector<16xf32>,
        } {sc.loop_unroll_factor = 2 : i64, sc.parallel_access}
        %mul3A_152 = arith.constant 4096 : i32
        %mul3A_153 = arith.muli %add3A_130, %mul3A_152 : i32
        %add3A_154 = arith.addi %mul3A_0, %mul3A_153 : i32
        %mul3A_155 = arith.constant 2 : i32
        %mul3A_156 = arith.muli %mul3A_155, %arg1 : i32
        %dma_start3A_157 = tpu.memref_slice %arg6[%mul3A_156, %add3A_154] : memref<32x262144xf32, #tpu.memory_space<hbm>> -> memref<1x4096xf32, #tpu.memory_space<hbm>>
        %dma_start3A_158 = tpu.memref_squeeze %dma_start3A_157 : memref<1x4096xf32, #tpu.memory_space<hbm>> -> memref<4096xf32, #tpu.memory_space<hbm>>
        %dma_start3A_159 = tpu.memref_slice %arg6[%mul3A_156, %add3A_154] : memref<32x262144xf32, #tpu.memory_space<hbm>> -> memref<1x4096xf32, #tpu.memory_space<hbm>>
        %dma_start3A_160 = tpu.memref_squeeze %dma_start3A_159 : memref<1x4096xf32, #tpu.memory_space<hbm>> -> memref<4096xf32, #tpu.memory_space<hbm>>
        tpu.enqueue_dma source(%arg18 : memref<4096xf32, #tpu.memory_space<vmem>>) target(%dma_start3A_160 : memref<4096xf32, #tpu.memory_space<hbm>>) target_semaphore(%arg23 : memref<!tpu.dma_semaphore, #tpu.memory_space<semaphore_mem>>)
        %mul3A_161 = arith.constant 2 : i32
        %mul3A_162 = arith.muli %mul3A_161, %arg1 : i32
        %add3A_163 = arith.constant 1 : i32
        %add3A_164 = arith.addi %mul3A_162, %add3A_163 : i32
        %dma_start3A_165 = tpu.memref_slice %arg6[%add3A_164, %add3A_154] : memref<32x262144xf32, #tpu.memory_space<hbm>> -> memref<1x4096xf32, #tpu.memory_space<hbm>>
        %dma_start3A_166 = tpu.memref_squeeze %dma_start3A_165 : memref<1x4096xf32, #tpu.memory_space<hbm>> -> memref<4096xf32, #tpu.memory_space<hbm>>
        %dma_start3A_167 = tpu.memref_slice %arg6[%add3A_164, %add3A_154] : memref<32x262144xf32, #tpu.memory_space<hbm>> -> memref<1x4096xf32, #tpu.memory_space<hbm>>
        %dma_start3A_168 = tpu.memref_squeeze %dma_start3A_167 : memref<1x4096xf32, #tpu.memory_space<hbm>> -> memref<4096xf32, #tpu.memory_space<hbm>>
        tpu.enqueue_dma source(%arg19 : memref<4096xf32, #tpu.memory_space<vmem>>) target(%dma_start3A_168 : memref<4096xf32, #tpu.memory_space<hbm>>) target_semaphore(%arg23 : memref<!tpu.dma_semaphore, #tpu.memory_space<semaphore_mem>>)
        %lt3A_169 = arith.constant 15 : i32
        %lt3A_170 = arith.cmpi slt, %scan3A_83, %lt3A_169 : i32
        %convert_element_type3A_171 = arith.extui %lt3A_170 : i1 to i32
        %cond3A_172 = arith.constant 0 : i32
        %cond3A_173 = arith.cmpi ne, %convert_element_type3A_171, %cond3A_172 : i32
        scf.if %cond3A_173 {
          %add3A_174 = arith.constant 2 : i32
          %add3A_175 = arith.addi %add3A_130, %add3A_174 : i32
          %mul3A_176 = arith.constant 4096 : i32
          %mul3A_177 = arith.muli %add3A_175, %mul3A_176 : i32
          %add3A_178 = arith.addi %mul3A_0, %mul3A_177 : i32
          %dma_start3A_179 = arith.constant 0 : i32
          %dma_start3A_180 = tpu.memref_slice %arg2[%dma_start3A_179, %add3A_178] : memref<2x262144xf32, #tpu.memory_space<hbm>> -> memref<1x4096xf32, #tpu.memory_space<hbm>>
          %dma_start3A_181 = tpu.memref_squeeze %dma_start3A_180 : memref<1x4096xf32, #tpu.memory_space<hbm>> -> memref<4096xf32, #tpu.memory_space<hbm>>
          %dma_start3A_182 = tpu.memref_slice %arg2[%dma_start3A_179, %add3A_178] : memref<2x262144xf32, #tpu.memory_space<hbm>> -> memref<1x4096xf32, #tpu.memory_space<hbm>>
          %dma_start3A_183 = tpu.memref_squeeze %dma_start3A_182 : memref<1x4096xf32, #tpu.memory_space<hbm>> -> memref<4096xf32, #tpu.memory_space<hbm>>
          tpu.enqueue_dma source(%dma_start3A_183 : memref<4096xf32, #tpu.memory_space<hbm>>) target(%arg16 : memref<4096xf32, #tpu.memory_space<vmem>>) target_semaphore(%arg21 : memref<!tpu.dma_semaphore, #tpu.memory_space<semaphore_mem>>)
          %dma_start3A_184 = arith.constant 1 : i32
          %dma_start3A_185 = tpu.memref_slice %arg2[%dma_start3A_184, %add3A_178] : memref<2x262144xf32, #tpu.memory_space<hbm>> -> memref<1x4096xf32, #tpu.memory_space<hbm>>
          %dma_start3A_186 = tpu.memref_squeeze %dma_start3A_185 : memref<1x4096xf32, #tpu.memory_space<hbm>> -> memref<4096xf32, #tpu.memory_space<hbm>>
          %dma_start3A_187 = tpu.memref_slice %arg2[%dma_start3A_184, %add3A_178] : memref<2x262144xf32, #tpu.memory_space<hbm>> -> memref<1x4096xf32, #tpu.memory_space<hbm>>
          %dma_start3A_188 = tpu.memref_squeeze %dma_start3A_187 : memref<1x4096xf32, #tpu.memory_space<hbm>> -> memref<4096xf32, #tpu.memory_space<hbm>>
          tpu.enqueue_dma source(%dma_start3A_188 : memref<4096xf32, #tpu.memory_space<hbm>>) target(%arg17 : memref<4096xf32, #tpu.memory_space<vmem>>) target_semaphore(%arg21 : memref<!tpu.dma_semaphore, #tpu.memory_space<semaphore_mem>>)
        } else {
        }
      }
      %scan3A_51 = arith.constant 16 : i32
      %add3A_52 = arith.constant 0 : i32
      %add3A_53 = arith.addi %mul3A_0, %add3A_52 : i32
      %mul3A_54 = arith.constant 2 : i32
      %mul3A_55 = arith.muli %mul3A_54, %arg1 : i32
      %dma_wait3A = tpu.memref_slice %arg6[%mul3A_55, %add3A_53] : memref<32x262144xf32, #tpu.memory_space<hbm>> -> memref<1x4096xf32, #tpu.memory_space<hbm>>
      %dma_wait3A_56 = tpu.memref_squeeze %dma_wait3A : memref<1x4096xf32, #tpu.memory_space<hbm>> -> memref<4096xf32, #tpu.memory_space<hbm>>
      %dma_wait3A_57 = tpu.memref_slice %arg6[%mul3A_55, %add3A_53] : memref<32x262144xf32, #tpu.memory_space<hbm>> -> memref<1x4096xf32, #tpu.memory_space<hbm>>
      %dma_wait3A_58 = tpu.memref_squeeze %dma_wait3A_57 : memref<1x4096xf32, #tpu.memory_space<hbm>> -> memref<4096xf32, #tpu.memory_space<hbm>>
      tpu.wait_dma2 semaphore(%arg22 : memref<!tpu.dma_semaphore, #tpu.memory_space<semaphore_mem>>) src(%arg14 : memref<4096xf32, #tpu.memory_space<vmem>>) dst(%dma_wait3A_58 : memref<4096xf32, #tpu.memory_space<hbm>>)
      %mul3A_59 = arith.constant 2 : i32
      %mul3A_60 = arith.muli %mul3A_59, %arg1 : i32
      %add3A_61 = arith.constant 1 : i32
      %add3A_62 = arith.addi %mul3A_60, %add3A_61 : i32
      %dma_wait3A_63 = tpu.memref_slice %arg6[%add3A_62, %add3A_53] : memref<32x262144xf32, #tpu.memory_space<hbm>> -> memref<1x4096xf32, #tpu.memory_space<hbm>>
      %dma_wait3A_64 = tpu.memref_squeeze %dma_wait3A_63 : memref<1x4096xf32, #tpu.memory_space<hbm>> -> memref<4096xf32, #tpu.memory_space<hbm>>
      %dma_wait3A_65 = tpu.memref_slice %arg6[%add3A_62, %add3A_53] : memref<32x262144xf32, #tpu.memory_space<hbm>> -> memref<1x4096xf32, #tpu.memory_space<hbm>>
      %dma_wait3A_66 = tpu.memref_squeeze %dma_wait3A_65 : memref<1x4096xf32, #tpu.memory_space<hbm>> -> memref<4096xf32, #tpu.memory_space<hbm>>
      tpu.wait_dma2 semaphore(%arg22 : memref<!tpu.dma_semaphore, #tpu.memory_space<semaphore_mem>>) src(%arg15 : memref<4096xf32, #tpu.memory_space<vmem>>) dst(%dma_wait3A_66 : memref<4096xf32, #tpu.memory_space<hbm>>)
      %add3A_67 = arith.constant 0 : i32
      %add3A_68 = arith.addi %mul3A_0, %add3A_67 : i32
      %mul3A_69 = arith.constant 2 : i32
      %mul3A_70 = arith.muli %mul3A_69, %arg1 : i32
      %dma_wait3A_71 = tpu.memref_slice %arg6[%mul3A_70, %add3A_68] : memref<32x262144xf32, #tpu.memory_space<hbm>> -> memref<1x4096xf32, #tpu.memory_space<hbm>>
      %dma_wait3A_72 = tpu.memref_squeeze %dma_wait3A_71 : memref<1x4096xf32, #tpu.memory_space<hbm>> -> memref<4096xf32, #tpu.memory_space<hbm>>
      %dma_wait3A_73 = tpu.memref_slice %arg6[%mul3A_70, %add3A_68] : memref<32x262144xf32, #tpu.memory_space<hbm>> -> memref<1x4096xf32, #tpu.memory_space<hbm>>
      %dma_wait3A_74 = tpu.memref_squeeze %dma_wait3A_73 : memref<1x4096xf32, #tpu.memory_space<hbm>> -> memref<4096xf32, #tpu.memory_space<hbm>>
      tpu.wait_dma2 semaphore(%arg23 : memref<!tpu.dma_semaphore, #tpu.memory_space<semaphore_mem>>) src(%arg18 : memref<4096xf32, #tpu.memory_space<vmem>>) dst(%dma_wait3A_74 : memref<4096xf32, #tpu.memory_space<hbm>>)
      %mul3A_75 = arith.constant 2 : i32
      %mul3A_76 = arith.muli %mul3A_75, %arg1 : i32
      %add3A_77 = arith.constant 1 : i32
      %add3A_78 = arith.addi %mul3A_76, %add3A_77 : i32
      %dma_wait3A_79 = tpu.memref_slice %arg6[%add3A_78, %add3A_68] : memref<32x262144xf32, #tpu.memory_space<hbm>> -> memref<1x4096xf32, #tpu.memory_space<hbm>>
      %dma_wait3A_80 = tpu.memref_squeeze %dma_wait3A_79 : memref<1x4096xf32, #tpu.memory_space<hbm>> -> memref<4096xf32, #tpu.memory_space<hbm>>
      %dma_wait3A_81 = tpu.memref_slice %arg6[%add3A_78, %add3A_68] : memref<32x262144xf32, #tpu.memory_space<hbm>> -> memref<1x4096xf32, #tpu.memory_space<hbm>>
      %dma_wait3A_82 = tpu.memref_squeeze %dma_wait3A_81 : memref<1x4096xf32, #tpu.memory_space<hbm>> -> memref<4096xf32, #tpu.memory_space<hbm>>
      tpu.wait_dma2 semaphore(%arg23 : memref<!tpu.dma_semaphore, #tpu.memory_space<semaphore_mem>>) src(%arg19 : memref<4096xf32, #tpu.memory_space<vmem>>) dst(%dma_wait3A_82 : memref<4096xf32, #tpu.memory_space<hbm>>)
    } else {
    }
    return
  }
}

</mosaic_0001>

<sc_bundles>
// kernel: kernel.3.cloned.1.call-start
scs
__scs_entry_jumppad:
0x0: {  	(pc) =	sbr.rel $0x88, $3  }
0x1: {  	(tag) =	ssettag $0x0;
	lr =	simm.s32 $0x1  }
0x2: {  	[smem:$0x3F9E] =	sst lr;
	_ =	strace $0xD0000000  }
0x3: {  	_ = 	snop  }
0x4: {  	_ = 	snop  }
0x5: {  	_ = 	snop  }
0x6: {  	_ = 	snop  }
0x7: {  	_ = 	snop  }
__scs_overlays_trampoline_lowered:
0x8: {  	[smem:$0x3FAD] =	sst s0  }
0x9: {  	[smem:$0x3FAE] =	sst s1  }
0xa: {  	[smem:$0x3FAF] =	sst s2  }
0xb: {  	[smem:$0x3FB0] =	sst s3  }
0xc: {  	[smem:$0x3FB1] =	sst s4  }
0xd: {  	[smem:$0x3FB2] =	sst s5  }
0xe: {  	[smem:$0x3FB3] =	sst s6  }
0xf: {  	[smem:$0x3FB4] =	sst s7  }
0x10: {  	[smem:$0x3FB5] =	sst s8  }
0x11: {  	[smem:$0x3FB6] =	sst s9;
	s0 =	simm.s32 @!p0 $0x0  }
0x12: {  	s1 =	sld [smem:$0x3F9C];
	s0 =	simm.s32 @p0 $0x1  }
0x13: {  	[smem:$0x3FB7] =	sst s0;
	s0 =	simm.s32 @!p1 $0x0  }
0x14: {  	s2 =	sld [smem:$0x3F9B];
	s0 =	simm.s32 @p1 $0x1  }
0x15: {  	[smem:$0x3FB8] =	sst s0;
	s0 =	simm.s32 @!p2 $0x0  }
0x16: {  	s3 =	sld [smem:$0x3FDB];
	s0 =	simm.s32 @p2 $0x1  }
0x17: {  	s4 =	simm.s32 $0x1BF5;
	[smem:$0x3FBA] =	sst s0  }
0x18: {  	s0 =	sld [smem:$0x3F9D];
	_ =	swait.ge [sflag:s4], $0x0  }
0x19: {  	s7 =	sld [smem:$0x3F9E]  }
0x1a: {  	s8 =	sadd.s32 $0xFFFFE003, lr  }
0x1b: {  	s9 =	sadd.s32 $0xFFFFFEF7, lr;
	s5 =	simm.s32 $0xFFFFFFFF;
	p2 =	slt.u32 s8, $0xFFFFF086  }
0x1c: {  	p1 =	slt.u32 s9, $0xF7A;
	s5 =	simm.s32 @!p2 $0x0  }
0x1d: {  	s5 =	simm.s32 @p1 $0x1;
	p0 =	seq.s32 s7, s2  }
0x1e: {  	s7 =	smul.u32 @!p0 $0xF7A, s2;
	p2 =	seq.s32 @!p0 s5, $0x0  }
0x1f: {  	s9 =	smul.u32 $0xF7A, s1;
	s8 =	simm.s32 @!p0 $0x1BF5;
	p2 =	por !p2, p0  }
0x20: {  	[sflag:s8] =	ssyncset.s32 @!p0 $0xFFFFF086;
	s6 =	sadd.s32 @!p0 s3, s7;
	s7 =	simm.s32 @!p0 $0x108  }
0x21: {  	s3 =	sadd.s32 s3, s9;
	s6 =	sadd.s32 @!p0 $0x88, s6;
	s7 =	simm.s32 @p2 $0x1082  }
0x22: {  	[simem:s7], [sflag:s8] =	dma.local @!p0 [hbm:s6], $0xF7A  }
0x23: {  	s9 =	sor.u32 $0xD0000000, s2;
	s6 =	simm.s32 $0x108;
	_ =	swait.ge @!p0 [sflag:s8], $0x0  }
0x24: {  	s3 =	sadd.s32 $0x88, s3;
	s6 =	simm.s32 @!p1 $0x1082;
	[sflag:s4] =	ssyncset.s32 $0xFFFFF086  }
0x25: {  	[simem:s6], [sflag:s4] =	dma.local [hbm:s3], $0xF7A  }
0x26: {  	[smem:$0x3F9E] =	sst s1;
	(tag) =	ssettag s2;
	_ =	strace s9  }
0x27: {  	s1 =	sld [smem:$0x3FAE]  }
0x28: {  	s2 =	sld [smem:$0x3FAF]  }
0x29: {  	s4 =	sld [smem:$0x3FB1]  }
0x2a: {  	p0 =	seq.s32 s5, $0x0;
	s5 =	sld [smem:$0x3FB2]  }
0x2b: {  	s6 =	sld [smem:$0x3FB3]  }
0x2c: {  	s7 =	sld [smem:$0x3FB4]  }
0x2d: {  	s3 =	simm.s32 $0x108;
	s8 =	sld [smem:$0x3FB5]  }
0x2e: {  	s3 =	simm.s32 @!p0 $0x1082;
	s9 =	sld [smem:$0x3FB6]  }
0x2f: {  	lr =	sadd.s32 s0, s3;
	s0 =	sld [smem:$0x3FAD]  }
0x30: {  	s3 =	sld [smem:$0x3FB0]  }
0x31: {  	[smem:$0x3FB9] =	sst s10  }
0x32: {  	s10 =	sld [smem:$0x3FB7];
	_ =	sdelay $0x3  }
0x33: {  	p0 =	seq.s32 s10, $0x1;
	s10 =	sld [smem:$0x3FB9];
	_ =	sdelay $0x3  }
0x34: {  	[smem:$0x3FB9] =	sst s10  }
0x35: {  	s10 =	sld [smem:$0x3FB8];
	_ =	sdelay $0x3  }
0x36: {  	p1 =	seq.s32 s10, $0x1;
	s10 =	sld [smem:$0x3FB9];
	_ =	sdelay $0x3  }
0x37: {  	[smem:$0x3FB9] =	sst s10  }
0x38: {  	s10 =	sld [smem:$0x3FBA]  }
0x39: {  	_ = 	snop;
	(pc) =	sbr.ind lr, $3  }
0x3a: {  	_ = 	snop  }
0x3b: {  	_ = 	snop  }
0x3c: {  	p2 =	seq.s32 s10, $0x1;
	s10 =	sld [smem:$0x3FB9]  }
0x3d: {  	_ =	shalt  }
0x3e: {  	_ =	shalt  }
0x3f: {  	_ =	shalt  }
0x40: {  	_ =	shalt  }
0x41: {  	_ =	shalt  }
0x42: {  	_ =	shalt  }
0x43: {  	_ =	shalt  }
0x44: {  	_ =	shalt  }
0x45: {  	_ =	shalt  }
0x46: {  	_ =	shalt  }
0x47: {  	_ =	shalt  }
0x48: {  	_ =	shalt  }
0x49: {  	_ =	shalt  }
0x4a: {  	_ =	shalt  }
0x4b: {  	_ =	shalt  }
0x4c: {  	_ =	shalt  }
0x4d: {  	_ =	shalt  }
0x4e: {  	_ =	shalt  }
0x4f: {  	_ =	shalt  }
0x50: {  	_ =	shalt  }
0x51: {  	_ =	shalt  }
0x52: {  	_ =	shalt  }
0x53: {  	_ =	shalt  }
0x54: {  	_ =	shalt  }
0x55: {  	_ =	shalt  }
0x56: {  	_ =	shalt  }
0x57: {  	_ =	shalt  }
0x58: {  	_ =	shalt  }
0x59: {  	_ =	shalt  }
0x5a: {  	_ =	shalt  }
0x5b: {  	_ =	shalt  }
0x5c: {  	_ =	shalt  }
0x5d: {  	_ =	shalt  }
0x5e: {  	_ =	shalt  }
0x5f: {  	_ =	shalt  }
0x60: {  	_ =	shalt  }
0x61: {  	_ =	shalt  }
0x62: {  	_ =	shalt  }
0x63: {  	_ =	shalt  }
0x64: {  	_ =	shalt  }
0x65: {  	_ =	shalt  }
0x66: {  	_ =	shalt  }
0x67: {  	_ =	shalt  }
0x68: {  	_ =	shalt  }
0x69: {  	_ =	shalt  }
0x6a: {  	_ =	shalt  }
0x6b: {  	_ =	shalt  }
0x6c: {  	_ =	shalt  }
0x6d: {  	_ =	shalt  }
0x6e: {  	_ =	shalt  }
0x6f: {  	_ =	shalt  }
0x70: {  	_ =	shalt  }
0x71: {  	_ =	shalt  }
0x72: {  	_ =	shalt  }
0x73: {  	_ =	shalt  }
0x74: {  	_ =	shalt  }
0x75: {  	_ =	shalt  }
0x76: {  	_ =	shalt  }
0x77: {  	_ =	shalt  }
0x78: {  	_ =	shalt  }
0x79: {  	_ =	shalt  }
0x7a: {  	_ =	shalt  }
0x7b: {  	_ =	shalt  }
0x7c: {  	_ =	shalt  }
0x7d: {  	_ =	shalt  }
0x7e: {  	_ =	shalt  }
0x7f: {  	_ =	shalt  }
0x80: {  	_ =	shalt  }
0x81: {  	_ =	shalt  }
0x82: {  	_ =	shalt  }
0x83: {  	_ =	shalt  }
0x84: {  	_ =	shalt  }
0x85: {  	_ =	shalt  }
0x86: {  	_ =	shalt  }
0x87: {  	_ =	shalt  }
.Lfunc_end0:
.L_simem_size_0:
called_computation_lowered:
.L_overlay_start_0:
0x88: {  	s2 =	sld [smem:$0x3FD9]  }
0x89: {  	s3 =	sld [smem:$0x3FFE];
	_ =	sdelay $0x1  }
0x8a: {  	s1 =	srdreg.scid  }
0x8b: {  	s0 =	sand.u32 $0x1, s1  }
0x8c: {  	s17 =	sshll.u32 s0, $0xA;
	s2 =	sadd.s32 s3, s2  }
0x8d: {  	s2 =	sadd.s32 s2, s17  }
0x8e: {  	[smem:$0x3FC5] =	sst s2  }
0x8f: {  	_ = 	snop  }
0x90: {  	s2 =	sld [smem:$0x3FD0];
	(tm) =	ssettm $0x1  }
0x91: {  	s18 =	sld [smem:$0x3FFB];
	_ =	sdelay $0x3  }
0x92: {  	_ =	strace s18  }
0x93: {  	s3 =	sld [smem:$0x3FFC];
	_ =	sdelay $0x3  }
0x94: {  	_ =	strace s3  }
0x95: {  	s3 =	sld [smem:$0x3FFD];
	_ =	sdelay $0x3  }
0x96: {  	_ =	strace s3  }
0x97: {  	_ =	strace $0x8FFFFFFF  }
0x98: {  	s19 =	sld [smem:$0x3FDB];
	_ =	sdelay $0x1  }
0x99: {  	s4 =	simm.s32 $_scs_section_size  }
0x9a: {  	s5 =	simm.s32 $_size__tile_overlayer_lowered;
	s6 =	simm.s32 $_tile_overlayer_lowered  }
0x9b: {  	s22 =	simm.s32 $0x1BFF;
	s21 =	sshll.u32 s6, $0x1;
	s3 =	sadd.s32 s4, s19  }
0x9c: {  	s7 =	simm.s32 $0x0;
	s20 =	sshll.u32 s5, $0x1;
	s5 =	sadd.s32 s21, s3  }
0x9d: {  	[timem:s7], [sflag:s22] =	dma.local [hbm:s5], s20  }
0x9e: {  	_ =	swait.ge [sflag:s22], s20  }
0x9f: {  	s4 =	ssub.s32 $0x0, s20;
	[sflag:s22] =	ssyncset.done $0x0  }
0xa0: {  	[sflag:s22] =	ssyncadd.s32 s4;
	_ =	sdelay $0x1  }
0xa1: {  	s23 =	simm.s32 $0x1B8B  }
0xa2: {  	_ =	swait.ge [sflag:s23], $0x1  }
0xa3: {  	[sflag:s23] =	ssyncset.done $0x0  }
0xa4: {  	s25 =	simm.s32 $0x1B8E;
	s24 =	sld [smem:$0x3FFE];
	[sflag:s23] =	ssyncadd.s32 $0xFFFFFFFF  }
0xa5: {  	s26 =	simm.s32 $execute0_lowered;
	[smem:$0x3FD2] =	sst s25  }
0xa6: {  	s5 =	sshll.u32 s26, $0x1;
	_ =	strace $0x80000046;
	[dreg:$0x1] =	wrdreg $0xFFFFFFFF  }
0xa7: {  	s28 =	simm.s32 $_size_execute0_lowered;
	s3 =	sadd.s32 s3, s5;
	[dreg:$0x0] =	wrdreg $0x0  }
0xa8: {  	s5 =	sshll.u32 s28, $0x1;
	[dreg:$0x2] =	wrdreg s3  }
0xa9: {  	[dreg:$0x3] =	wrdreg s5  }
0xaa: {  	[dreg:$0x4] =	wrdreg $0xC0  }
0xab: {  	_ =	task [dreg:s7], $0x5FFFF  }
0xac: {  	[dreg:$0x1] =	wrdreg $0xFFFFFFFF  }
0xad: {  	[dreg:$0x0] =	wrdreg $0x60  }
0xae: {  	[dreg:$0x2] =	wrdreg s2  }
0xaf: {  	[dreg:$0x3] =	wrdreg s24  }
0xb0: {  	[dreg:$0x4] =	wrdreg $0x9  }
0xb1: {  	_ =	task.clear_ibuf [dreg:s7], $0x5FFFF;
	_ =	strace $0x90000046  }
0xb2: {  	s29 =	simm.s32 $0x9;
	_ =	strace $0x80000048  }
0xb3: {  	_ =	swait.ge [sflag:s29], $0x1  }
0xb4: {  	[sflag:s29] =	ssyncadd.s32 $0xFFFFFFFF  }
0xb5: {  	_ =	strace $0x90000048  }
0xb6: {  	_ =	sfence  }
0xb7: {  	s30 =	sld [smem:$0x0];
	_ =	sdelay $0x2  }
0xb8: {  	s31 =	sshll.u32 s1, $0xD;
	s1 =	sshrl.u32 s1, $0x2  }
0xb9: {  	s3 =	sand.u32 $0x4000, s31;
	s1 =	sadd.s32 s1, s30  }
0xba: {  	s0 =	sor.u32 s3, s0;
	s1 =	sshll.u32 s1, $0x11  }
0xbb: {  	s0 =	sor.u32 s1, s0  }
0xbc: {  	s0 =	sadd.s32 $0x8F2B, s0  }
0xbd: {  	[sflag:s0] =	ssyncadd.remote.s32 $0x1  }
0xbe: {  	_ =	sfence.sel $0xFFFF  }
0xbf: {  	[dreg:$0x0] =	wrdreg $0xFFFFFFFF;
	(pc) =	sbr.abs _section_cstart, $3  }
0xc0: {  	[dreg:$0x1] =	wrdreg $0xFFFFFFFF  }
0xc1: {  	_ =	task.clear_ibuf [dreg:s7], $0x2FFFF;
	_ =	strace $0x9FFFFFFF  }
0xc2: {  	(tm) =	ssettm $0x7FFFFFFF  }
0xc3: {  	_ =	shalt  }
tec
execute0_lowered:
.L_overlay_start_1:
0x0: {  	(tag) =	ssettag $0x1  }
0x1: {  	s1 =	rddreg [dreg:$0x0]  }
0x2: {  	s0 =	rddreg [dreg:$0x1]  }
0x3: {  	s2 =	simm.s32 $0x0;
	s3 =	srdreg.scid;
	s9 =	stileid.u32  }
0x4: {  	s28 =	simm.s32 $0x120;
	s29 =	simm.s32 $0x1;
	s30 =	simm.s32 $0xA220  }
0x5: {  	s31 =	simm.s32 $0xB220;
	s12 =	simm.s32 $0x4220;
	[smem:$0x7FF] =	sst s2  }
0x6: {  	s3 =	sand.u32 $0x1, s3;
	s4 =	sadd.s32 $0xFA00, s0;
	s20 =	sadd.s32 $0x800, s0  }
0x7: {  	s5 =	sadd.s32 $0xA00, s0;
	s6 =	sadd.s32 $0xFC00, s0;
	s22 =	sshll.u32 s9, $0xF  }
0x8: {  	s24 =	sadd.s32 $0x820, s0;
	s25 =	sshll.u32 s9, $0x1;
	s15 =	sshll.u32 s9, $0x13  }
0x9: {  	s19 =	sadd.s32 $0x17C00, s0;
	p0 =	seq.s32 s9, $0x0;
	s9 =	simm.s32 $0x5  }
0xa: {  	s0 =	simm.s32 $0x2;
	_ =	strace $0x80000047;
	[dreg:$0x3] =	wrdreg s4  }
0xb: {  	[dreg:$0x4] =	wrdreg s20;
	s21 =	ssub.s32 $0x2, s3;
	s8 =	sshll.u32 s3, $0xE  }
0xc: {  	s23 =	sadd.s32 $0xFFFF8000, s22;
	[dreg:$0xb] =	wrdreg s24;
	s16 =	sor.u32 $0x40000, s15  }
0xd: {  	s24 =	simm.s32 $0xD220;
	s7 =	sshrl.u32 s21, $0x1;
	s10 =	sadd.s32 s1, s8  }
0xe: {  	s4 =	ssub.s32 s21, s7;
	s7 =	sshll.u32 s3, $0x11;
	s8 =	sadd.s32 $0x8000, s10  }
0xf: {  	s3 =	sadd.s32 $0xFFFFC000, s22;
	s11 =	sadd.s32 $0x200, s10;
	[dreg:$0x5] =	wrdreg s10  }
0x10: {  	s10 =	sadd.s32 $0x8200, s10;
	s22 =	simm.s32 $0x220;
	[dreg:$0x6] =	wrdreg s8  }
0x11: {  	[dreg:$0x7] =	wrdreg s11;
	s8 =	sshrl.u32 s23, $0x3;
	s3 =	sshrl.u32 s3, $0x3  }
.Ltmp0:
0x12: {  	[dreg:$0x8] =	wrdreg s10;
	s17 =	sor.u32 $0x2000, s7;
	(pc) =	sbr.rel .LBB2_1-.Ltmp0, $4  }
0x13: {  	s18 =	sor.u32 $0x3000, s7;
	s26 =	smax.u32 s4, $0x1;
	s23 =	simm.s32 $0xC220  }
0x14: {  	s4 =	simm.s32 $0xF220;
	s8 =	sadd.s32 s5, s8;
	[dreg:$0xc] =	wrdreg s26  }
0x15: {  	v0 =	vmov s25;
	s10 =	simm.s32 $0x0;
	s3 =	sadd.s32 s5, s3;
	[dreg:$0x9] =	wrdreg s8  }
0x16: {  	v1 =	vor.u32 $0x1, v0;
	s26 =	simm.s32 $0x20;
	s5 =	simm.s32 $0xE220;
	[dreg:$0xa] =	wrdreg s3  }
.LBB2_16:
0x17: {  	s3 =	simm.s32 $0x3  }
0x18: {  	_ =	swait.ge [sflag:s3], $0x1000  }
0x19: {  	[sflag:s3] =	ssyncset.done $0x0  }
0x1a: {  	[sflag:s3] =	ssyncadd.s32 $0xFFFFF000  }
0x1b: {  	_ =	swait.ge [sflag:s3], $0x1000  }
0x1c: {  	[sflag:s3] =	ssyncset.done $0x0  }
0x1d: {  	s8 =	simm.s32 $0x4;
	[sflag:s3] =	ssyncadd.s32 $0xFFFFF000  }
0x1e: {  	_ =	swait.ge [sflag:s8], $0x1000  }
0x1f: {  	[sflag:s8] =	ssyncset.done $0x0  }
0x20: {  	[sflag:s8] =	ssyncadd.s32 $0xFFFFF000  }
0x21: {  	_ =	swait.ge [sflag:s8], $0x1000  }
0x22: {  	s10 =	rddreg [dreg:$0xd]  }
0x23: {  	s25 =	rddreg [dreg:$0xc];
	s10 =	sadd.s32 $0x1, s10  }
0x24: {  	p1 =	sne.s32 s10, s25  }
.Ltmp1:
0x25: {  	_ = 	snop;
	(pc) =	sbr.rel @!p1 .LBB2_17-.Ltmp1, $3  }
0x26: {  	_ =	sdelay $0x1  }
0x27: {  	[sflag:s8] =	ssyncset.done $0x0  }
0x28: {  	s9 =	simm.s32 $0x5;
	[sflag:s8] =	ssyncadd.s32 $0xFFFFF000  }
.LBB2_1:
0x29: {  	s3 =	rddreg [dreg:$0x5];
	s8 =	simm.s32 $0x8220  }
0x2a: {  	[tilespmem:s8], [sflag:$0x1] =	stream.linear.gather [hbm4b:s3+s2], $0x1000, $0x38;
	[tilespmem:$0x10220] =	vst v63  }
0x2b: {  	s13 =	rddreg [dreg:$0x6];
	s14 =	simm.s32 $0x9220  }
0x2c: {  	[tilespmem:s14], [sflag:$0x1] =	stream.linear.gather [hbm4b:s13+s2], $0x1000, $0x38;
	[tilespmem:$0x10220] =	vst v63  }
0x2d: {  	s20 =	rddreg [dreg:$0x7]  }
0x2e: {  	[tilespmem:s23], [sflag:$0x2] =	stream.linear.gather [hbm4b:s20+s2], $0x1000, $0x38;
	[tilespmem:$0x10220] =	vst v63  }
0x2f: {  	s21 =	rddreg [dreg:$0x8]  }
0x30: {  	[tilespmem:s24], [sflag:$0x2] =	stream.linear.gather [hbm4b:s21+s2], $0x1000, $0x38;
	[tilespmem:$0x10220] =	vst v63  }
.Ltmp2:
0x31: {  	s25 =	rddreg [dreg:$0x3];
	(pc) =	sbr.rel @p0 .LBB2_9-.Ltmp2, $4  }
0x32: {  	[tilespmem:s2], [sflag:$0x5] =	stream.linear.gather [hbm4b:s25+s2], $0x20, $0x38;
	[tilespmem:$0x10220] =	vst v63  }
0x33: {  	_ =	swait.ge [sflag:s9], $0x20  }
0x34: {  	[sflag:s9] =	ssyncset.done $0x0  }
0x35: {  	s3 =	simm.s32 $0x0;
	[dreg:$0xd] =	wrdreg s10;
	[sflag:s9] =	ssyncadd.s32 $0xFFFFFFE0  }
0x36: {  	s8 =	rddreg [dreg:$0x9]  }
0x37: {  	[tilespmem:s22], [sflag:$0x5] =	stream.linear.gather [hbm4b:s8+s3], $0x4000, $0x38;
	[tilespmem:$0x10220] =	vst v63  }
0x38: {  	_ =	swait.ge [sflag:s9], $0x4000  }
0x39: {  	[sflag:s9] =	ssyncset.done $0x0  }
0x3a: {  	s25 =	rddreg [dreg:$0xa];
	[sflag:s9] =	ssyncadd.s32 $0xFFFFC000  }
0x3b: {  	[tilespmem:s12], [sflag:$0x5] =	stream.linear.gather [hbm4b:s25+s3], $0x4000, $0x38;
	[tilespmem:$0x10220] =	vst v63  }
0x3c: {  	_ =	swait.ge [sflag:s9], $0x4000  }
0x3d: {  	[sflag:s9] =	ssyncset.done $0x0  }
0x3e: {  	[sflag:s9] =	ssyncadd.s32 $0xFFFFC000  }
0x3f: {  	v2 =	vld.idx.msk [tilespmem:v0+s3+$0x0], $0xffff  }
0x40: {  	v3 =	vld.idx.msk [tilespmem:v1+s3+$0x0], $0xffff  }
.LBB2_3:
0x41: {  	_ =	swait.ge [sflag:s29], $0x1000  }
0x42: {  	[sflag:s29] =	ssyncset.done $0x0  }
0x43: {  	[sflag:s29] =	ssyncadd.s32 $0xFFFFF000  }
0x44: {  	_ =	swait.ge [sflag:s29], $0x1000  }
0x45: {  	p1 =	seq.s32 s3, $0x0;
	[sflag:s29] =	ssyncset.done $0x0  }
0x46: {  	s8 =	simm.s32 @!p1 $0x3;
	[sflag:s29] =	ssyncadd.s32 $0xFFFFF000  }
0x47: {  	_ =	swait.ge @!p1 [sflag:s8], $0x1000  }
0x48: {  	[sflag:s8] =	ssyncset.done @!p1 $0x0  }
0x49: {  	[sflag:s8] =	ssyncadd.s32 @!p1 $0xFFFFF000  }
0x4a: {  	_ =	swait.ge @!p1 [sflag:s8], $0x1000  }
0x4b: {  	[sflag:s8] =	ssyncset.done @!p1 $0x0  }
0x4c: {  	s20 =	simm.s32 $0x8230;
	[sflag:s8] =	ssyncadd.s32 @!p1 $0xFFFFF000  }
0x4d: {  	s9 =	simm.s32 $0x9230;
	v4 =	vld [tilespmem:s20+$0xFFFFFFF0]  }
0x4e: {  	v5 =	vld [tilespmem:s9+$0x0]  }
0x4f: {  	v6 =	vld [tilespmem:s9+$0xFFFFFFF0]  }
0x50: {  	v7 =	vld [tilespmem:s20+$0x0];
	_ =	sdelay $0x3  }
0x51: {  	v13 =	vmul.f32 v5, v3;
	v6 =	vmul.f32 v6, v3  }
0x52: {  	v4 =	vmul.f32 v4, v2;
	v8 =	vmul.f32 v7, v2  }
0x53: {  	v5 =	vtrunc.f32 v13;
	v7 =	vtrunc.f32 v6  }
0x54: {  	v9 =	vtrunc.f32 v4;
	v5 =	vcvt.f32.s32 v5  }
0x55: {  	v10 =	vtrunc.f32 v8;
	v7 =	vcvt.f32.s32 v7  }
0x56: {  	v9 =	vcvt.f32.s32 v9;
	v10 =	vcvt.f32.s32 v10;
	v11 =	vmul.u32 $0x9E3779B1, v5  }
0x57: {  	v12 =	vmul.u32 $0x9E3779B1, v7  }
0x58: {  	v15 =	vadd.s32 $0x1, v9;
	v23 =	vcvt.s32.f32 v5;
	v21 =	vxor.u32 v10, v11  }
0x59: {  	s21 =	simm.s32 $0x8250;
	v14 =	vadd.s32 $0x9E3779B1, v11;
	v5 =	vxor.u32 v9, v12;
	v24 =	vand.u32 $0x3FFF, v21  }
0x5a: {  	v16 =	vadd.s32 $0x9E3779B1, v12;
	v17 =	vxor.u32 v10, v14;
	v21 =	vld [tilespmem:s21+$0x0];
	v26 =	vand.u32 $0x3FFF, v5  }
0x5b: {  	s25 =	simm.s32 $0x9250;
	v20 =	vadd.s32 $0x1, v10;
	v18 =	vxor.u32 v15, v16;
	v19 =	vand.u32 $0x3FFF, v17;
	v17 =	vld [tilespmem:s21+$0xFFFFFFF0]  }
0x5c: {  	v22 =	vand.u32 $0x3FFF, v18;
	v18 =	vcvt.s32.f32 v10;
	v10 =	vxor.u32 v15, v12;
	v12 =	vld [tilespmem:s25+$0xFFFFFFF0]  }
0x5d: {  	v25 =	vand.u32 $0x3FFF, v10;
	v10 =	vxor.u32 v9, v16;
	v16 =	vld [tilespmem:s25+$0x0]  }
0x5e: {  	v7 =	vcvt.s32.f32 v7;
	v15 =	vxor.u32 v20, v11;
	v28 =	vand.u32 $0x3FFF, v10;
	v10 =	vld.idx.msk [tilespmem:v24+s22+$0x0], $0xffff  }
0x5f: {  	v9 =	vcvt.s32.f32 v9;
	v39 =	vand.u32 $0x3FFF, v15;
	v15 =	vld.idx.msk [tilespmem:v26+s22+$0x0], $0xffff  }
0x60: {  	v20 =	vxor.u32 v20, v14;
	v14 =	vsub.f32 v6, v7;
	v7 =	vmul.f32 v21, v2;
	v26 =	vld.idx.msk [tilespmem:v26+s12+$0x0], $0xffff  }
0x61: {  	v5 =	vsub.f32 v4, v9;
	v27 =	vld.idx.msk [tilespmem:v19+s22+$0x0], $0xffff;
	v11 =	vmul.f32 v17, v2;
	v9 =	vmul.f32 v12, v3  }
0x62: {  	v4 =	vsub.f32 v8, v18;
	v30 =	vld.idx.msk [tilespmem:v22+s12+$0x0], $0xffff;
	v8 =	vmul.f32 v16, v3;
	v16 =	vtrunc.f32 v7  }
0x63: {  	v18 =	vld.idx.msk [tilespmem:v25+s12+$0x0], $0xffff;
	v6 =	vtrunc.f32 v11;
	v31 =	vcvt.f32.s32 v16  }
0x64: {  	v12 =	vld.idx.msk [tilespmem:v19+s12+$0x0], $0xffff;
	v17 =	vcvt.f32.s32 v6;
	v6 =	vsub.f32 v13, v23;
	v13 =	vtrunc.f32 v9  }
0x65: {  	v32 =	vld.idx.msk [tilespmem:v22+s22+$0x0], $0xffff;
	v23 =	vand.u32 $0x3FFF, v20;
	v16 =	vtrunc.f32 v8;
	v21 =	vcvt.f32.s32 v13  }
0x66: {  	v37 =	vld.idx.msk [tilespmem:v28+s12+$0x0], $0xffff;
	v40 =	vadd.s32 $0x1, v31;
	v19 =	vsub.f32 v27, v10;
	v27 =	vcvt.f32.s32 v16  }
0x67: {  	v13 =	vld.idx.msk [tilespmem:v24+s12+$0x0], $0xffff;
	v20 =	vcvt.s32.f32 v31;
	v29 =	vadd.s32 $0x1, v17;
	v34 =	vmul.u32 $0x9E3779B1, v21  }
0x68: {  	v24 =	vsub.f32 v30, v18;
	v30 =	vld.idx.msk [tilespmem:v25+s22+$0x0], $0xffff;
	v16 =	vmul.f32 v6, v19;
	v38 =	vmul.u32 $0x9E3779B1, v27  }
0x69: {  	v19 =	vcvt.s32.f32 v27;
	v36 =	vadd.s32 $0x9E3779B1, v34;
	v35 =	vxor.u32 v17, v34  }
0x6a: {  	s11 =	simm.s32 $0xB230;
	s13 =	simm.s32 $0x8270;
	s14 =	simm.s32 $0xB230;
	v28 =	vld.idx.msk [tilespmem:v28+s22+$0x0], $0xffff;
	v33 =	vmul.f32 v24, v14;
	v24 =	vadd.s32 $0x9E3779B1, v38;
	v25 =	vxor.u32 v31, v38  }
0x6b: {  	s8 =	simm.s32 $0xA230;
	s9 =	sshll.u32 s3, $0xD;
	s20 =	simm.s32 $0xA230;
	v22 =	vld.idx.msk [tilespmem:v39+s12+$0x0], $0xffff;
	v41 =	vxor.u32 v31, v24;
	v31 =	vxor.u32 v40, v38;
	v38 =	vsub.f32 v37, v26  }
0x6c: {  	s10 =	sor.u32 s7, s9;
	s21 =	simm.s32 $0x20;
	s25 =	simm.s32 $0x9270;
	v24 =	vxor.u32 v40, v24;
	v27 =	vand.u32 $0x3FFF, v25;
	v25 =	vld.idx.msk [tilespmem:v39+s22+$0x0], $0xffff;
	v37 =	vand.u32 $0x3FFF, v41  }
.LBB2_4:
0x6d: {  	v39 =	vld [tilespmem:s13+$0x0];
	s21 =	sadd.s32 $0x20, s21;
	v40 =	vxor.u32 v17, v36;
	v34 =	vxor.u32 v29, v34;
	v32 =	vsub.f32 v32, v30;
	s8 =	sadd.s32 $0x20, s8;
	s11 =	sadd.s32 $0x20, s11  }
0x6e: {  	v29 =	vxor.u32 v29, v36;
	v38 =	vmul.f32 v38, v14;
	v41 =	vld [tilespmem:s13+$0xFFFFFFF0];
	p2 =	slt.u32 s21, $0xFE0;
	v36 =	vand.u32 $0x3FFF, v40  }
0x6f: {  	v28 =	vsub.f32 v28, v15;
	v40 =	vand.u32 $0x3FFF, v34;
	v34 =	vand.u32 $0x3FFF, v29;
	v29 =	vld.idx.msk [tilespmem:v23+s22+$0x0], $0xffff  }
0x70: {  	v35 =	vand.u32 $0x3FFF, v35;
	v18 =	vadd.f32 v33, v18;
	v26 =	vadd.f32 v38, v26;
	v23 =	vld.idx.msk [tilespmem:v23+s12+$0x0], $0xffff  }
0x71: {  	v28 =	vmul.f32 v14, v28;
	v14 =	vmul.f32 v32, v14;
	v32 =	vsub.f32 v12, v13;
	v33 =	vld [tilespmem:s25+$0xFFFFFFF0]  }
0x72: {  	v17 =	vcvt.s32.f32 v17;
	v21 =	vcvt.s32.f32 v21;
	v18 =	vsub.f32 v18, v26;
	v38 =	vld.idx.msk [tilespmem:v37+s22+$0x0], $0xffff  }
0x73: {  	v12 =	vld.idx.msk [tilespmem:v37+s12+$0x0], $0xffff;
	v37 =	vadd.f32 v28, v15;
	v28 =	vadd.f32 v14, v30;
	v30 =	vmul.f32 v32, v6  }
0x74: {  	v32 =	vsub.f32 v11, v17;
	v14 =	vsub.f32 v9, v21;
	v11 =	vmul.f32 v18, v5;
	v21 =	vld.idx.msk [tilespmem:v34+s12+$0x0], $0xffff  }
0x75: {  	v42 =	vsub.f32 v7, v20;
	v43 =	vand.u32 $0x3FFF, v31;
	v7 =	vsub.f32 v29, v25;
	v15 =	vld.idx.msk [tilespmem:v35+s22+$0x0], $0xffff  }
0x76: {  	v31 =	vadd.f32 v11, v26;
	v17 =	vsub.f32 v23, v22;
	v9 =	vmul.f32 v33, v3;
	v20 =	vld [tilespmem:s25+$0x0]  }
0x77: {  	v11 =	vmul.f32 v41, v2;
	v23 =	vsub.f32 v28, v37;
	v28 =	vmul.f32 v7, v6;
	v26 =	vld.idx.msk [tilespmem:v27+s22+$0x0], $0xffff  }
0x78: {  	v7 =	vmul.f32 v39, v2;
	v33 =	vadd.f32 v16, v10;
	v10 =	vmul.f32 v17, v6;
	v18 =	vld.idx.msk [tilespmem:v40+s12+$0x0], $0xffff  }
0x79: {  	v16 =	vtrunc.f32 v11;
	v6 =	vsub.f32 v8, v19;
	v8 =	vadd.f32 v28, v25  }
0x7a: {  	v17 =	vcvt.f32.s32 v16;
	v16 =	vmul.f32 v23, v5;
	v5 =	vmovc v32;
	v19 =	vadd.f32 v10, v22  }
0x7b: {  	v23 =	vand.u32 $0x3FFF, v24;
	v22 =	vtrunc.f32 v9;
	v32 =	vsub.f32 v8, v33;
	v24 =	vld.idx.msk [tilespmem:v27+s12+$0x0], $0xffff  }
0x7c: {  	v25 =	vadd.f32 v30, v13;
	v29 =	vadd.s32 $0x1, v17;
	v8 =	vmul.f32 v20, v3;
	v28 =	vld.idx.msk [tilespmem:v36+s22+$0x0], $0xffff  }
0x7d: {  	v13 =	vtrunc.f32 v7;
	v20 =	vsub.f32 v38, v26;
	v27 =	vmul.f32 v32, v4;
	v10 =	vmovc v26  }
0x7e: {  	v38 =	vcvt.f32.s32 v13;
	v13 =	vtrunc.f32 v8;
	v41 =	vsub.f32 v21, v18;
	v39 =	vld.idx.msk [tilespmem:v36+s12+$0x0], $0xffff  }
0x7f: {  	v21 =	vcvt.f32.s32 v22;
	v22 =	vcvt.f32.s32 v13;
	v36 =	vadd.f32 v16, v37;
	v26 =	vld.idx.msk [tilespmem:v35+s12+$0x0], $0xffff  }
0x80: {  	v37 =	vadd.s32 $0x1, v38;
	v16 =	vmul.f32 v6, v20;
	v35 =	vsub.f32 v19, v25;
	v32 =	vld.idx.msk [tilespmem:v34+s22+$0x0], $0xffff  }
0x81: {  	v20 =	vcvt.s32.f32 v38;
	v27 =	vadd.f32 v27, v33;
	v34 =	vmul.u32 $0x9E3779B1, v21;
	v13 =	vmovc v24;
	v30 =	vld.idx.msk [tilespmem:v40+s22+$0x0], $0xffff;
	[tilespmem:s20+$0xFFFFFFF0] =	vst v36  }
.Ltmp3:
0x82: {  	v19 =	vcvt.s32.f32 v22;
	v22 =	vmul.u32 $0x9E3779B1, v22;
	v24 =	vmul.f32 v35, v4;
	v4 =	vmovc v42;
	[tilespmem:s14+$0xFFFFFFF0] =	vst v31;
	(pc) =	sbr.rel @p2 .LBB2_4-.Ltmp3, $4  }
0x83: {  	v33 =	vmul.f32 v41, v14;
	v36 =	vadd.s32 $0x9E3779B1, v34;
	v35 =	vxor.u32 v17, v34;
	[tilespmem:s20+$0x0] =	vst v27;
	s20 =	smov.u32 s8  }
0x84: {  	v40 =	vxor.u32 v38, v22;
	v27 =	vadd.s32 $0x9E3779B1, v22;
	v41 =	vadd.f32 v24, v25  }
0x85: {  	v31 =	vxor.u32 v37, v22;
	v25 =	vxor.u32 v38, v27;
	v38 =	vsub.f32 v39, v26;
	v22 =	vld.idx.msk [tilespmem:v43+s12+$0x0], $0xffff  }
0x86: {  	s13 =	sadd.s32 $0x20, s13;
	s25 =	sadd.s32 $0x20, s25;
	v24 =	vxor.u32 v37, v27;
	v27 =	vand.u32 $0x3FFF, v40;
	v37 =	vand.u32 $0x3FFF, v25;
	v25 =	vld.idx.msk [tilespmem:v43+s22+$0x0], $0xffff;
	[tilespmem:s14+$0x0] =	vst v41;
	s14 =	smov.u32 s11  }
0x87: {  	_ =	sdelay $0x3  }
0x88: {  	v40 =	vld.idx.msk [tilespmem:v23+s22+$0x0], $0xffff  }
0x89: {  	v35 =	vand.u32 $0x3FFF, v35;
	v23 =	vld.idx.msk [tilespmem:v23+s12+$0x0], $0xffff  }
0x8a: {  	v39 =	vxor.u32 v29, v36;
	v29 =	vxor.u32 v29, v34;
	v54 =	vld.idx.msk [tilespmem:v37+s22+$0x0], $0xffff;
	v55 =	vxor.u32 v17, v36  }
0x8b: {  	v28 =	vsub.f32 v28, v15;
	v56 =	vld.idx.msk [tilespmem:v37+s12+$0x0], $0xffff;
	v32 =	vsub.f32 v32, v30;
	v39 =	vand.u32 $0x3FFF, v39  }
0x8c: {  	v38 =	vmul.f32 v38, v14;
	v18 =	vadd.f32 v33, v18;
	v57 =	vld.idx.msk [tilespmem:v27+s22+$0x0], $0xffff;
	v29 =	vand.u32 $0x3FFF, v29  }
0x8d: {  	v17 =	vcvt.s32.f32 v17;
	v27 =	vld.idx.msk [tilespmem:v27+s12+$0x0], $0xffff;
	v21 =	vcvt.s32.f32 v21;
	v36 =	vand.u32 $0x3FFF, v55  }
0x8e: {  	v12 =	vsub.f32 v12, v13;
	v7 =	vsub.f32 v7, v20;
	v28 =	vmul.f32 v14, v28;
	v42 =	vld.idx.msk [tilespmem:v35+s22+$0x0], $0xffff  }
0x8f: {  	v26 =	vadd.f32 v38, v26;
	v14 =	vmul.f32 v32, v14;
	v11 =	vsub.f32 v11, v17;
	v58 =	vld.idx.msk [tilespmem:v35+s12+$0x0], $0xffff  }
0x90: {  	v9 =	vsub.f32 v9, v21;
	v15 =	vadd.f32 v28, v15;
	v41 =	vld.idx.msk [tilespmem:v39+s12+$0x0], $0xffff  }
0x91: {  	v17 =	vand.u32 $0x3FFF, v31;
	v14 =	vadd.f32 v14, v30;
	v18 =	vsub.f32 v18, v26;
	v28 =	vld.idx.msk [tilespmem:v29+s12+$0x0], $0xffff  }
0x92: {  	v31 =	vsub.f32 v40, v25;
	v21 =	vsub.f32 v23, v22;
	v30 =	vld.idx.msk [tilespmem:v36+s12+$0x0], $0xffff  }
0x93: {  	v10 =	vadd.f32 v16, v10;
	v23 =	vand.u32 $0x3FFF, v24;
	v18 =	vmul.f32 v18, v5;
	v24 =	vld.idx.msk [tilespmem:v36+s22+$0x0], $0xffff  }
0x94: {  	v8 =	vsub.f32 v8, v19;
	v20 =	vmul.f32 v31, v6;
	v16 =	vmul.f32 v21, v6;
	v21 =	vld.idx.msk [tilespmem:v29+s22+$0x0], $0xffff  }
0x95: {  	v14 =	vsub.f32 v14, v15;
	v6 =	vmul.f32 v12, v6;
	v18 =	vadd.f32 v18, v26;
	v26 =	vld.idx.msk [tilespmem:v39+s22+$0x0], $0xffff  }
0x96: {  	v19 =	vadd.f32 v20, v25;
	v20 =	vld.idx.msk [tilespmem:v17+s12+$0x0], $0xffff;
	v12 =	vadd.f32 v16, v22  }
0x97: {  	v5 =	vmul.f32 v14, v5;
	v17 =	vld.idx.msk [tilespmem:v17+s22+$0x0], $0xffff;
	v6 =	vadd.f32 v6, v13;
	v16 =	vsub.f32 v30, v58  }
0x98: {  	v22 =	vld.idx.msk [tilespmem:v23+s22+$0x0], $0xffff;
	v14 =	vsub.f32 v19, v10;
	v19 =	vsub.f32 v41, v28  }
0x99: {  	v23 =	vld.idx.msk [tilespmem:v23+s12+$0x0], $0xffff;
	v5 =	vadd.f32 v5, v15;
	v13 =	vmul.f32 v16, v9;
	v16 =	vsub.f32 v24, v42  }
0x9a: {  	v12 =	vsub.f32 v12, v6;
	v19 =	vmul.f32 v19, v9;
	v25 =	vsub.f32 v26, v21  }
0x9b: {  	v24 =	vsub.f32 v54, v57;
	v13 =	vadd.f32 v13, v58;
	v15 =	vmul.f32 v9, v16  }
0x9c: {  	v16 =	vadd.f32 v19, v28;
	v9 =	vmul.f32 v25, v9;
	v19 =	vsub.f32 v56, v27  }
0x9d: {  	v22 =	vsub.f32 v22, v17;
	v15 =	vadd.f32 v15, v42  }
0x9e: {  	v9 =	vadd.f32 v9, v21;
	v21 =	vsub.f32 v23, v20  }
0x9f: {  	v24 =	vmul.f32 v8, v24;
	v16 =	vsub.f32 v16, v13;
	v22 =	vmul.f32 v22, v8  }
0xa0: {  	v19 =	vmul.f32 v19, v8;
	v9 =	vsub.f32 v9, v15;
	v8 =	vmul.f32 v21, v8  }
0xa1: {  	v14 =	vmul.f32 v14, v4;
	v21 =	vadd.f32 v24, v57;
	v17 =	vadd.f32 v22, v17  }
0xa2: {  	v4 =	vmul.f32 v12, v4;
	v12 =	vadd.f32 v19, v27;
	v8 =	vadd.f32 v8, v20  }
0xa3: {  	[tilespmem:s20+$0xFFFFFFF0] =	vst v5;
	v5 =	vadd.f32 v14, v10;
	v9 =	vmul.f32 v9, v11;
	v10 =	vsub.f32 v17, v21  }
0xa4: {  	[tilespmem:s14+$0xFFFFFFF0] =	vst v18;
	v4 =	vadd.f32 v4, v6;
	v6 =	vmul.f32 v16, v11;
	v8 =	vsub.f32 v8, v12  }
0xa5: {  	[tilespmem:s20+$0x0] =	vst v5;
	v5 =	vmul.f32 v10, v7;
	v9 =	vadd.f32 v9, v15  }
0xa6: {  	s8 =	sadd.s32 $0x20, s8;
	[tilespmem:s14+$0x0] =	vst v4;
	v4 =	vadd.f32 v6, v13;
	v6 =	vmul.f32 v8, v7  }
0xa7: {  	s11 =	sadd.s32 $0x20, s11;
	[tilespmem:s8+$0xFFFFFFF0] =	vst v9;
	v5 =	vadd.f32 v5, v21  }
0xa8: {  	s13 =	sor.u32 s15, s10;
	[tilespmem:s11+$0xFFFFFFF0] =	vst v4;
	v4 =	vadd.f32 v6, v12  }
0xa9: {  	s25 =	sshrl.u32 s13, $0x3;
	[tilespmem:s8+$0x0] =	vst v5  }
0xaa: {  	s13 =	sor.u32 s16, s10;
	s8 =	sadd.s32 s6, s25;
	[tilespmem:s11+$0x0] =	vst v4  }
0xab: {  	[hbm4b:s8+s2] =	stream.linear.scatter [tilespmem:s30], [sflag:$0x3], $0x1000, $0x38;
	[tilespmem:$0x10220] =	vst v63  }
0xac: {  	s8 =	sshrl.u32 s13, $0x3  }
0xad: {  	p2 =	seq.s32 s3, $0xF;
	s8 =	sadd.s32 s6, s8  }
0xae: {  	[hbm4b:s8+s2] =	stream.linear.scatter [tilespmem:s31], [sflag:$0x3], $0x1000, $0x38;
	[tilespmem:$0x10220] =	vst v63  }
0xaf: {  	s8 =	sadd.s32 @!p2 s9, s17  }
0xb0: {  	s8 =	sshrl.u32 @!p2 s8, $0x3  }
0xb1: {  	s11 =	simm.s32 @!p2 $0x0;
	s13 =	simm.s32 @!p2 $0x8220;
	s8 =	sadd.s32 @!p2 s1, s8  }
0xb2: {  	[tilespmem:s13], [sflag:$0x1] =	stream.linear.gather @!p2 [hbm4b:s8+s11], $0x1000, $0x38;
	[tilespmem:$0x10220] =	vst v63  }
0xb3: {  	s8 =	sadd.s32 @!p2 $0x8000, s8;
	s13 =	simm.s32 @!p2 $0x9220  }
0xb4: {  	[tilespmem:s13], [sflag:$0x1] =	stream.linear.gather @!p2 [hbm4b:s8+s11], $0x1000, $0x38;
	[tilespmem:$0x10220] =	vst v63  }
0xb5: {  	_ =	swait.ge [sflag:s0], $0x1000  }
0xb6: {  	[sflag:s0] =	ssyncset.done $0x0  }
0xb7: {  	[sflag:s0] =	ssyncadd.s32 $0xFFFFF000  }
0xb8: {  	_ =	swait.ge [sflag:s0], $0x1000  }
0xb9: {  	[sflag:s0] =	ssyncset.done $0x0  }
0xba: {  	s8 =	simm.s32 @!p1 $0x4;
	[sflag:s0] =	ssyncadd.s32 $0xFFFFF000  }
0xbb: {  	_ =	swait.ge @!p1 [sflag:s8], $0x1000  }
0xbc: {  	[sflag:s8] =	ssyncset.done @!p1 $0x0  }
0xbd: {  	[sflag:s8] =	ssyncadd.s32 @!p1 $0xFFFFF000  }
0xbe: {  	_ =	swait.ge @!p1 [sflag:s8], $0x1000  }
0xbf: {  	[sflag:s8] =	ssyncset.done @!p1 $0x0  }
0xc0: {  	s14 =	simm.s32 $0xC230;
	[sflag:s8] =	ssyncadd.s32 @!p1 $0xFFFFF000  }
0xc1: {  	s20 =	simm.s32 $0xD230;
	v4 =	vld [tilespmem:s14+$0xFFFFFFF0]  }
0xc2: {  	v5 =	vld [tilespmem:s20+$0x0]  }
0xc3: {  	v6 =	vld [tilespmem:s20+$0xFFFFFFF0]  }
0xc4: {  	v7 =	vld [tilespmem:s14+$0x0];
	_ =	sdelay $0x3  }
0xc5: {  	v13 =	vmul.f32 v5, v3;
	v6 =	vmul.f32 v6, v3  }
0xc6: {  	v4 =	vmul.f32 v4, v2;
	v8 =	vmul.f32 v7, v2  }
0xc7: {  	v5 =	vtrunc.f32 v13;
	v7 =	vtrunc.f32 v6  }
0xc8: {  	v9 =	vtrunc.f32 v4;
	v5 =	vcvt.f32.s32 v5  }
0xc9: {  	v10 =	vtrunc.f32 v8;
	v7 =	vcvt.f32.s32 v7  }
0xca: {  	v9 =	vcvt.f32.s32 v9;
	v10 =	vcvt.f32.s32 v10;
	v11 =	vmul.u32 $0x9E3779B1, v5  }
0xcb: {  	v12 =	vmul.u32 $0x9E3779B1, v7  }
0xcc: {  	v15 =	vadd.s32 $0x1, v9;
	v23 =	vcvt.s32.f32 v5;
	v21 =	vxor.u32 v10, v11  }
0xcd: {  	s21 =	simm.s32 $0xC250;
	v14 =	vadd.s32 $0x9E3779B1, v11;
	v5 =	vxor.u32 v9, v12;
	v24 =	vand.u32 $0x3FFF, v21  }
0xce: {  	v16 =	vadd.s32 $0x9E3779B1, v12;
	v17 =	vxor.u32 v10, v14;
	v21 =	vld [tilespmem:s21+$0x0];
	v26 =	vand.u32 $0x3FFF, v5  }
0xcf: {  	s25 =	simm.s32 $0xD250;
	v20 =	vadd.s32 $0x1, v10;
	v18 =	vxor.u32 v15, v16;
	v19 =	vand.u32 $0x3FFF, v17;
	v17 =	vld [tilespmem:s21+$0xFFFFFFF0]  }
0xd0: {  	v22 =	vand.u32 $0x3FFF, v18;
	v18 =	vcvt.s32.f32 v10;
	v10 =	vxor.u32 v15, v12;
	v12 =	vld [tilespmem:s25+$0xFFFFFFF0]  }
0xd1: {  	v25 =	vand.u32 $0x3FFF, v10;
	v10 =	vxor.u32 v9, v16;
	v16 =	vld [tilespmem:s25+$0x0]  }
0xd2: {  	v15 =	vxor.u32 v20, v11;
	v28 =	vand.u32 $0x3FFF, v10;
	v10 =	vld.idx.msk [tilespmem:v24+s22+$0x0], $0xffff  }
0xd3: {  	v7 =	vcvt.s32.f32 v7;
	v59 =	vand.u32 $0x3FFF, v15;
	v15 =	vld.idx.msk [tilespmem:v26+s22+$0x0], $0xffff  }
0xd4: {  	v9 =	vcvt.s32.f32 v9;
	v26 =	vld.idx.msk [tilespmem:v26+s12+$0x0], $0xffff  }
0xd5: {  	v20 =	vxor.u32 v20, v14;
	v14 =	vsub.f32 v6, v7;
	v7 =	vmul.f32 v21, v2;
	v27 =	vld.idx.msk [tilespmem:v19+s22+$0x0], $0xffff  }
0xd6: {  	v5 =	vsub.f32 v4, v9;
	v11 =	vmul.f32 v17, v2;
	v29 =	vld.idx.msk [tilespmem:v22+s12+$0x0], $0xffff;
	v9 =	vmul.f32 v12, v3  }
0xd7: {  	v4 =	vsub.f32 v8, v18;
	v18 =	vld.idx.msk [tilespmem:v25+s12+$0x0], $0xffff;
	v8 =	vmul.f32 v16, v3;
	v16 =	vtrunc.f32 v7  }
0xd8: {  	v12 =	vld.idx.msk [tilespmem:v19+s12+$0x0], $0xffff;
	v6 =	vtrunc.f32 v11;
	v31 =	vcvt.f32.s32 v16  }
0xd9: {  	v60 =	vld.idx.msk [tilespmem:v28+s12+$0x0], $0xffff;
	v17 =	vcvt.f32.s32 v6;
	v6 =	vsub.f32 v13, v23;
	v13 =	vtrunc.f32 v9  }
0xda: {  	v32 =	vld.idx.msk [tilespmem:v22+s22+$0x0], $0xffff;
	v23 =	vand.u32 $0x3FFF, v20;
	v16 =	vtrunc.f32 v8;
	v21 =	vcvt.f32.s32 v13  }
0xdb: {  	v13 =	vld.idx.msk [tilespmem:v24+s12+$0x0], $0xffff;
	v61 =	vadd.s32 $0x1, v31;
	v19 =	vsub.f32 v27, v10;
	v27 =	vcvt.f32.s32 v16  }
0xdc: {  	v20 =	vcvt.s32.f32 v31;
	v24 =	vsub.f32 v29, v18;
	v34 =	vmul.u32 $0x9E3779B1, v21;
	v29 =	vld.idx.msk [tilespmem:v28+s22+$0x0], $0xffff  }
0xdd: {  	v30 =	vadd.s32 $0x1, v17;
	v28 =	vld.idx.msk [tilespmem:v25+s22+$0x0], $0xffff;
	v16 =	vmul.f32 v6, v19;
	v62 =	vmul.u32 $0x9E3779B1, v27  }
0xde: {  	v19 =	vcvt.s32.f32 v27;
	v38 =	vsub.f32 v60, v26;
	v36 =	vadd.s32 $0x9E3779B1, v34  }
0xdf: {  	s10 =	sor.u32 $0x1000, s10;
	s11 =	simm.s32 $0xF230;
	v35 =	vxor.u32 v17, v34;
	v33 =	vmul.f32 v24, v14;
	v24 =	vadd.s32 $0x9E3779B1, v62  }
0xe0: {  	s13 =	simm.s32 $0xC270;
	s8 =	simm.s32 $0xE230;
	s20 =	simm.s32 $0xE230;
	v22 =	vld.idx.msk [tilespmem:v59+s12+$0x0], $0xffff;
	v25 =	vxor.u32 v31, v62;
	v63 =	vxor.u32 v31, v24;
	v31 =	vxor.u32 v61, v62  }
0xe1: {  	s14 =	simm.s32 $0xF230;
	s21 =	simm.s32 $0x20;
	s25 =	simm.s32 $0xD270;
	v24 =	vxor.u32 v61, v24;
	v27 =	vand.u32 $0x3FFF, v25;
	v25 =	vld.idx.msk [tilespmem:v59+s22+$0x0], $0xffff;
	v37 =	vand.u32 $0x3FFF, v63  }
.LBB2_6:
0xe2: {  	v39 =	vld [tilespmem:s13+$0x0];
	s21 =	sadd.s32 $0x20, s21;
	v40 =	vxor.u32 v17, v36;
	v34 =	vxor.u32 v30, v34;
	v32 =	vsub.f32 v32, v28;
	s8 =	sadd.s32 $0x20, s8;
	s11 =	sadd.s32 $0x20, s11  }
0xe3: {  	v30 =	vxor.u32 v30, v36;
	v38 =	vmul.f32 v38, v14;
	v41 =	vld [tilespmem:s13+$0xFFFFFFF0];
	p1 =	slt.u32 s21, $0xFE0;
	v36 =	vand.u32 $0x3FFF, v40  }
0xe4: {  	v29 =	vsub.f32 v29, v15;
	v40 =	vand.u32 $0x3FFF, v34;
	v34 =	vand.u32 $0x3FFF, v30;
	v30 =	vld.idx.msk [tilespmem:v23+s22+$0x0], $0xffff  }
0xe5: {  	v35 =	vand.u32 $0x3FFF, v35;
	v18 =	vadd.f32 v33, v18;
	v26 =	vadd.f32 v38, v26;
	v23 =	vld.idx.msk [tilespmem:v23+s12+$0x0], $0xffff  }
0xe6: {  	v29 =	vmul.f32 v14, v29;
	v14 =	vmul.f32 v32, v14;
	v32 =	vsub.f32 v12, v13;
	v33 =	vld [tilespmem:s25+$0xFFFFFFF0]  }
0xe7: {  	v17 =	vcvt.s32.f32 v17;
	v21 =	vcvt.s32.f32 v21;
	v18 =	vsub.f32 v18, v26;
	v38 =	vld.idx.msk [tilespmem:v37+s22+$0x0], $0xffff  }
0xe8: {  	v28 =	vadd.f32 v14, v28;
	v32 =	vmul.f32 v32, v6;
	v12 =	vld.idx.msk [tilespmem:v37+s12+$0x0], $0xffff;
	v37 =	vadd.f32 v29, v15  }
0xe9: {  	v14 =	vsub.f32 v9, v21;
	v29 =	vsub.f32 v11, v17;
	v11 =	vmul.f32 v18, v5;
	v21 =	vld.idx.msk [tilespmem:v34+s12+$0x0], $0xffff  }
0xea: {  	v42 =	vsub.f32 v7, v20;
	v43 =	vand.u32 $0x3FFF, v31;
	v7 =	vsub.f32 v30, v25;
	v15 =	vld.idx.msk [tilespmem:v35+s22+$0x0], $0xffff  }
0xeb: {  	v31 =	vadd.f32 v11, v26;
	v17 =	vsub.f32 v23, v22;
	v9 =	vmul.f32 v33, v3;
	v20 =	vld [tilespmem:s25+$0x0]  }
0xec: {  	v11 =	vmul.f32 v41, v2;
	v23 =	vsub.f32 v28, v37;
	v28 =	vmul.f32 v7, v6;
	v26 =	vld.idx.msk [tilespmem:v27+s22+$0x0], $0xffff  }
0xed: {  	v7 =	vmul.f32 v39, v2;
	v33 =	vadd.f32 v16, v10;
	v10 =	vmul.f32 v17, v6;
	v18 =	vld.idx.msk [tilespmem:v40+s12+$0x0], $0xffff  }
0xee: {  	v16 =	vtrunc.f32 v11;
	v6 =	vsub.f32 v8, v19;
	v8 =	vadd.f32 v28, v25  }
0xef: {  	v17 =	vcvt.f32.s32 v16;
	v16 =	vmul.f32 v23, v5;
	v5 =	vmovc v29;
	v19 =	vadd.f32 v10, v22  }
0xf0: {  	v23 =	vand.u32 $0x3FFF, v24;
	v22 =	vtrunc.f32 v9;
	v28 =	vsub.f32 v8, v33;
	v24 =	vld.idx.msk [tilespmem:v27+s12+$0x0], $0xffff  }
0xf1: {  	v25 =	vadd.f32 v32, v13;
	v30 =	vadd.s32 $0x1, v17;
	v8 =	vmul.f32 v20, v3;
	v29 =	vld.idx.msk [tilespmem:v36+s22+$0x0], $0xffff  }
0xf2: {  	v13 =	vtrunc.f32 v7;
	v20 =	vsub.f32 v38, v26;
	v27 =	vmul.f32 v28, v4;
	v10 =	vmovc v26  }
0xf3: {  	v38 =	vcvt.f32.s32 v13;
	v13 =	vtrunc.f32 v8;
	v41 =	vsub.f32 v21, v18;
	v39 =	vld.idx.msk [tilespmem:v36+s12+$0x0], $0xffff  }
0xf4: {  	v21 =	vcvt.f32.s32 v22;
	v22 =	vcvt.f32.s32 v13;
	v36 =	vadd.f32 v16, v37;
	v26 =	vld.idx.msk [tilespmem:v35+s12+$0x0], $0xffff  }
0xf5: {  	v37 =	vadd.s32 $0x1, v38;
	v16 =	vmul.f32 v6, v20;
	v35 =	vsub.f32 v19, v25;
	v32 =	vld.idx.msk [tilespmem:v34+s22+$0x0], $0xffff  }
0xf6: {  	v20 =	vcvt.s32.f32 v38;
	v27 =	vadd.f32 v27, v33;
	v34 =	vmul.u32 $0x9E3779B1, v21;
	v13 =	vmovc v24;
	v28 =	vld.idx.msk [tilespmem:v40+s22+$0x0], $0xffff;
	[tilespmem:s20+$0xFFFFFFF0] =	vst v36  }
.Ltmp4:
0xf7: {  	v19 =	vcvt.s32.f32 v22;
	v22 =	vmul.u32 $0x9E3779B1, v22;
	v24 =	vmul.f32 v35, v4;
	v4 =	vmovc v42;
	[tilespmem:s14+$0xFFFFFFF0] =	vst v31;
	(pc) =	sbr.rel @p1 .LBB2_6-.Ltmp4, $4  }
0xf8: {  	v33 =	vmul.f32 v41, v14;
	v36 =	vadd.s32 $0x9E3779B1, v34;
	v35 =	vxor.u32 v17, v34;
	[tilespmem:s20+$0x0] =	vst v27;
	s20 =	smov.u32 s8  }
0xf9: {  	v40 =	vxor.u32 v38, v22;
	v27 =	vadd.s32 $0x9E3779B1, v22;
	v41 =	vadd.f32 v24, v25  }
0xfa: {  	v31 =	vxor.u32 v37, v22;
	v25 =	vxor.u32 v38, v27;
	v38 =	vsub.f32 v39, v26;
	v22 =	vld.idx.msk [tilespmem:v43+s12+$0x0], $0xffff  }
0xfb: {  	s13 =	sadd.s32 $0x20, s13;
	s25 =	sadd.s32 $0x20, s25;
	v24 =	vxor.u32 v37, v27;
	v27 =	vand.u32 $0x3FFF, v40;
	v37 =	vand.u32 $0x3FFF, v25;
	v25 =	vld.idx.msk [tilespmem:v43+s22+$0x0], $0xffff;
	[tilespmem:s14+$0x0] =	vst v41;
	s14 =	smov.u32 s11  }
0xfc: {  	_ =	sdelay $0x2  }
0xfd: {  	v35 =	vand.u32 $0x3FFF, v35  }
0xfe: {  	v40 =	vld.idx.msk [tilespmem:v23+s22+$0x0], $0xffff  }
0xff: {  	v52 =	vld.idx.msk [tilespmem:v23+s12+$0x0], $0xffff;
	v32 =	vsub.f32 v32, v28;
	v58 =	vand.u32 $0x3FFF, v31  }
0x100: {  	v51 =	vxor.u32 v30, v34;
	v34 =	vld.idx.msk [tilespmem:v37+s22+$0x0], $0xffff  }
0x101: {  	v63 =	vand.u32 $0x3FFF, v24;
	v54 =	vmul.f32 v32, v14;
	v32 =	vld.idx.msk [tilespmem:v27+s22+$0x0], $0xffff  }
0x102: {  	v39 =	vxor.u32 v30, v36;
	v42 =	vld.idx.msk [tilespmem:v35+s22+$0x0], $0xffff  }
0x103: {  	v53 =	vxor.u32 v17, v36;
	v29 =	vsub.f32 v29, v15;
	v39 =	vand.u32 $0x3FFF, v39;
	v61 =	vld.idx.msk [tilespmem:v35+s12+$0x0], $0xffff  }
0x104: {  	v38 =	vmul.f32 v38, v14;
	v18 =	vadd.f32 v33, v18;
	v30 =	vand.u32 $0x3FFF, v51;
	v44 =	vld.idx.msk [tilespmem:v58+s12+$0x0], $0xffff  }
0x105: {  	v55 =	vcvt.s32.f32 v17;
	v12 =	vsub.f32 v12, v13;
	v36 =	vand.u32 $0x3FFF, v53;
	v17 =	vld.idx.msk [tilespmem:v58+s22+$0x0], $0xffff  }
0x106: {  	v7 =	vsub.f32 v7, v20;
	v10 =	vadd.f32 v16, v10;
	v29 =	vmul.f32 v14, v29;
	v50 =	vld.idx.msk [tilespmem:v63+s22+$0x0], $0xffff  }
0x107: {  	v8 =	vsub.f32 v8, v19;
	v26 =	vadd.f32 v38, v26;
	v23 =	vld.idx.msk [tilespmem:v63+s12+$0x0], $0xffff  }
0x108: {  	v11 =	vsub.f32 v11, v55;
	v56 =	vadd.f32 v29, v15;
	v41 =	vld.idx.msk [tilespmem:v39+s12+$0x0], $0xffff  }
0x109: {  	v21 =	vcvt.s32.f32 v21;
	v14 =	vadd.f32 v54, v28;
	v18 =	vsub.f32 v18, v26;
	v57 =	vld.idx.msk [tilespmem:v30+s12+$0x0], $0xffff  }
0x10a: {  	v45 =	vmul.f32 v12, v6;
	v60 =	vsub.f32 v40, v25;
	v62 =	vsub.f32 v52, v22;
	v59 =	vld.idx.msk [tilespmem:v36+s12+$0x0], $0xffff  }
0x10b: {  	v9 =	vsub.f32 v9, v21;
	v18 =	vmul.f32 v18, v5;
	v35 =	vld.idx.msk [tilespmem:v36+s22+$0x0], $0xffff;
	v14 =	vsub.f32 v14, v56  }
0x10c: {  	v38 =	vld.idx.msk [tilespmem:v39+s22+$0x0], $0xffff;
	v36 =	vmul.f32 v60, v6;
	v39 =	vmul.f32 v62, v6;
	v6 =	vadd.f32 v45, v13  }
0x10d: {  	v40 =	vld.idx.msk [tilespmem:v30+s22+$0x0], $0xffff;
	v53 =	vsub.f32 v34, v32;
	v18 =	vadd.f32 v18, v26;
	v5 =	vmul.f32 v14, v5  }
0x10e: {  	v43 =	vadd.f32 v36, v25;
	v46 =	vadd.f32 v39, v22  }
0x10f: {  	v37 =	vld.idx.msk [tilespmem:v37+s12+$0x0], $0xffff;
	v5 =	vadd.f32 v5, v56;
	v22 =	vsub.f32 v50, v17  }
0x110: {  	v27 =	vld.idx.msk [tilespmem:v27+s12+$0x0], $0xffff;
	v58 =	vsub.f32 v23, v44;
	v47 =	vsub.f32 v59, v61  }
0x111: {  	v24 =	vmul.f32 v8, v53;
	v48 =	vsub.f32 v43, v10;
	v49 =	vsub.f32 v41, v57  }
0x112: {  	v52 =	vsub.f32 v35, v42;
	v54 =	vsub.f32 v38, v40;
	v51 =	vmul.f32 v47, v9  }
0x113: {  	v12 =	vsub.f32 v46, v6;
	v59 =	vadd.f32 v24, v32;
	v19 =	vmul.f32 v49, v9  }
0x114: {  	v55 =	vmul.f32 v9, v52;
	v9 =	vmul.f32 v54, v9;
	v13 =	vadd.f32 v51, v61  }
0x115: {  	v22 =	vmul.f32 v22, v8;
	v56 =	vadd.f32 v19, v57;
	v57 =	vsub.f32 v37, v27  }
0x116: {  	v15 =	vadd.f32 v55, v42;
	v9 =	vadd.f32 v9, v40  }
0x117: {  	v17 =	vadd.f32 v22, v17;
	v19 =	vmul.f32 v57, v8;
	v8 =	vmul.f32 v58, v8  }
0x118: {  	v14 =	vmul.f32 v48, v4;
	v16 =	vsub.f32 v56, v13;
	v9 =	vsub.f32 v9, v15  }
0x119: {  	v4 =	vmul.f32 v12, v4;
	v8 =	vadd.f32 v8, v44;
	v60 =	vadd.f32 v19, v27  }
0x11a: {  	[tilespmem:s20+$0xFFFFFFF0] =	vst v5;
	v5 =	vadd.f32 v14, v10;
	v61 =	vsub.f32 v17, v59;
	v9 =	vmul.f32 v9, v11  }
0x11b: {  	[tilespmem:s14+$0xFFFFFFF0] =	vst v18;
	v4 =	vadd.f32 v4, v6;
	v62 =	vmul.f32 v16, v11;
	v8 =	vsub.f32 v8, v60  }
0x11c: {  	[tilespmem:s20+$0x0] =	vst v5;
	v5 =	vmul.f32 v61, v7;
	v9 =	vadd.f32 v9, v15  }
0x11d: {  	s8 =	sadd.s32 $0x20, s8;
	[tilespmem:s14+$0x0] =	vst v4;
	v4 =	vadd.f32 v62, v13;
	v63 =	vmul.f32 v8, v7  }
0x11e: {  	s11 =	sadd.s32 $0x20, s11;
	v5 =	vadd.f32 v5, v59;
	[tilespmem:s8+$0xFFFFFFF0] =	vst v9  }
0x11f: {  	s13 =	sor.u32 s15, s10;
	[tilespmem:s11+$0xFFFFFFF0] =	vst v4;
	v4 =	vadd.f32 v63, v60  }
0x120: {  	s21 =	sshrl.u32 s13, $0x3;
	[tilespmem:s8+$0x0] =	vst v5  }
.Ltmp5:
0x121: {  	s25 =	sor.u32 s16, s10;
	s8 =	sadd.s32 s6, s21;
	[tilespmem:s11+$0x0] =	vst v4;
	(pc) =	sbr.rel @p2 .LBB2_16-.Ltmp5, $4  }
0x122: {  	[hbm4b:s8+s2] =	stream.linear.scatter [tilespmem:s5], [sflag:$0x4], $0x1000, $0x38;
	[tilespmem:$0x10220] =	vst v63  }
0x123: {  	s8 =	sshrl.u32 s25, $0x3  }
0x124: {  	s8 =	sadd.s32 s6, s8  }
0x125: {  	[hbm4b:s8+s2] =	stream.linear.scatter [tilespmem:s4], [sflag:$0x4], $0x1000, $0x38;
	[tilespmem:$0x10220] =	vst v63  }
0x126: {  	s8 =	sadd.s32 s9, s18  }
.Ltmp6:
0x127: {  	s8 =	sshrl.u32 s8, $0x3;
	(pc) =	sbr.rel .LBB2_3-.Ltmp6, $4  }
0x128: {  	s8 =	sadd.s32 s1, s8  }
0x129: {  	[tilespmem:s23], [sflag:$0x2] =	stream.linear.gather [hbm4b:s8+s2], $0x1000, $0x38;
	[tilespmem:$0x10220] =	vst v63  }
0x12a: {  	s3 =	sadd.s32 $0x1, s3;
	s8 =	sadd.s32 $0x8000, s8  }
0x12b: {  	[tilespmem:s24], [sflag:$0x2] =	stream.linear.gather [hbm4b:s8+s2], $0x1000, $0x38;
	[tilespmem:$0x10220] =	vst v63  }
.LBB2_9:
0x12c: {  	s8 =	rddreg [dreg:$0x4]  }
0x12d: {  	[tilespmem:s26], [sflag:$0x5] =	stream.linear.gather [hbm4b:s8+s3], $0x100, $0x38;
	[tilespmem:$0x10220] =	vst v63  }
0x12e: {  	_ =	swait.ge [sflag:s9], $0x100  }
0x12f: {  	[sflag:s9] =	ssyncset.done $0x0  }
0x130: {  	s25 =	rddreg [dreg:$0xb];
	[sflag:s9] =	ssyncadd.s32 $0xFFFFFF00  }
0x131: {  	[tilespmem:s28], [sflag:$0x5] =	stream.linear.gather [hbm4b:s25+s3], $0x100, $0x38;
	[tilespmem:$0x10220] =	vst v63  }
0x132: {  	_ =	swait.ge [sflag:s9], $0x100  }
0x133: {  	[sflag:s9] =	ssyncset.done $0x0  }
0x134: {  	[sflag:s9] =	ssyncadd.s32 $0xFFFFFF00  }
0x135: {  	v2 =	vld.idx.msk [tilespmem:v0+s3+$0x0], $0xffff  }
0x136: {  	v3 =	vld.idx.msk [tilespmem:v1+s3+$0x0], $0xffff;
	_ =	sdelay $0x4  }
0x137: {  	v4 =	vtrunc.f32 v2;
	v5 =	vtrunc.f32 v3  }
0x138: {  	v4 =	vcvt.f32.s32 v4;
	v5 =	vcvt.f32.s32 v5  }
.LBB2_10:
0x139: {  	_ =	swait.ge [sflag:s29], $0x1000  }
0x13a: {  	[sflag:s29] =	ssyncset.done $0x0  }
0x13b: {  	[sflag:s29] =	ssyncadd.s32 $0xFFFFF000  }
0x13c: {  	_ =	swait.ge [sflag:s29], $0x1000  }
0x13d: {  	p1 =	seq.s32 s3, $0x0;
	[sflag:s29] =	ssyncset.done $0x0  }
0x13e: {  	s8 =	simm.s32 @!p1 $0x3;
	[sflag:s29] =	ssyncadd.s32 $0xFFFFF000  }
0x13f: {  	_ =	swait.ge @!p1 [sflag:s8], $0x1000  }
0x140: {  	[sflag:s8] =	ssyncset.done @!p1 $0x0  }
0x141: {  	[sflag:s8] =	ssyncadd.s32 @!p1 $0xFFFFF000  }
0x142: {  	_ =	swait.ge @!p1 [sflag:s8], $0x1000  }
0x143: {  	[sflag:s8] =	ssyncset.done @!p1 $0x0  }
0x144: {  	s14 =	simm.s32 $0x9230;
	[sflag:s8] =	ssyncadd.s32 @!p1 $0xFFFFF000  }
0x145: {  	s9 =	simm.s32 $0x8230;
	v6 =	vld [tilespmem:s14+$0x0]  }
0x146: {  	v7 =	vld [tilespmem:s9+$0x0];
	_ =	sdelay $0x4  }
0x147: {  	v6 =	vmul.f32 v6, v3;
	v7 =	vmul.f32 v7, v2;
	_ =	sdelay $0x1  }
0x148: {  	v8 =	vtrunc.f32 v6;
	v9 =	vtrunc.f32 v7  }
0x149: {  	v9 =	vcvt.f32.s32 v9;
	v8 =	vcvt.f32.s32 v8;
	_ =	sdelay $0x1  }
0x14a: {  	v11 =	vshll.u32 v9, $0x4;
	v12 =	vadd.s32 $0x1, v8  }
0x14b: {  	v10 =	vld [tilespmem:s9+$0xFFFFFFF0];
	v14 =	vadd.s32 $0x1, v9;
	vm0 =	vlt.s32 v12, v5;
	v15 =	vadd.s32 v8, v11  }
0x14c: {  	v13 =	vld [tilespmem:s14+$0xFFFFFFF0];
	vm1 =	vlt.s32 v14, v4;
	v12 =	vsel vm0, v12, v5  }
0x14d: {  	s20 =	simm.s32 $0x9250;
	v14 =	vsel vm1, v14, v4;
	v11 =	vadd.s32 v11, v12  }
0x14e: {  	s21 =	simm.s32 $0x8250;
	v16 =	vld [tilespmem:s20+$0x0];
	v14 =	vshll.u32 v14, $0x4  }
0x14f: {  	v17 =	vld [tilespmem:s21+$0x0];
	v18 =	vadd.s32 v8, v14  }
0x150: {  	v10 =	vmul.f32 v10, v2;
	v12 =	vadd.s32 v12, v14;
	v14 =	vld.idx.msk [tilespmem:v15+s26+$0x0], $0xffff  }
0x151: {  	v13 =	vmul.f32 v13, v3;
	v15 =	vld.idx.msk [tilespmem:v15+s28+$0x0], $0xffff  }
0x152: {  	v19 =	vtrunc.f32 v10;
	v21 =	vld.idx.msk [tilespmem:v11+s26+$0x0], $0xffff  }
0x153: {  	v20 =	vtrunc.f32 v13;
	v19 =	vcvt.f32.s32 v19;
	v11 =	vld.idx.msk [tilespmem:v11+s28+$0x0], $0xffff  }
0x154: {  	v16 =	vmul.f32 v16, v3;
	v20 =	vcvt.f32.s32 v20;
	v22 =	vld.idx.msk [tilespmem:v18+s26+$0x0], $0xffff  }
0x155: {  	v17 =	vmul.f32 v17, v2;
	v23 =	vadd.s32 $0x1, v19;
	v24 =	vshll.u32 v19, $0x4;
	v26 =	vld.idx.msk [tilespmem:v12+s26+$0x0], $0xffff  }
0x156: {  	v25 =	vadd.s32 $0x1, v20;
	v28 =	vcvt.s32.f32 v20;
	v19 =	vcvt.s32.f32 v19;
	v18 =	vld.idx.msk [tilespmem:v18+s28+$0x0], $0xffff  }
0x157: {  	v9 =	vcvt.s32.f32 v9;
	vm8 =	vlt.s32 v23, v4;
	v27 =	vadd.s32 v20, v24;
	v12 =	vld.idx.msk [tilespmem:v12+s28+$0x0], $0xffff  }
0x158: {  	vm9 =	vlt.s32 v25, v5;
	v23 =	vsel vm8, v23, v4;
	v8 =	vcvt.s32.f32 v8  }
0x159: {  	v25 =	vsel vm9, v25, v5;
	v13 =	vsub.f32 v13, v28;
	v23 =	vshll.u32 v23, $0x4  }
0x15a: {  	v24 =	vadd.s32 v24, v25;
	v20 =	vadd.s32 v20, v23;
	v8 =	vsub.f32 v6, v8  }
0x15b: {  	v28 =	vld [tilespmem:s20+$0xFFFFFFF0];
	v23 =	vadd.s32 v25, v23;
	v6 =	vsub.f32 v21, v14;
	v21 =	vsub.f32 v26, v22  }
0x15c: {  	v25 =	vld [tilespmem:s21+$0xFFFFFFF0];
	v11 =	vsub.f32 v11, v15;
	v26 =	vtrunc.f32 v16;
	v12 =	vsub.f32 v12, v18  }
0x15d: {  	v7 =	vsub.f32 v7, v9;
	v29 =	vmul.f32 v8, v6;
	v21 =	vmul.f32 v21, v8  }
0x15e: {  	v11 =	vmul.f32 v11, v8;
	v6 =	vsub.f32 v10, v19;
	v8 =	vmul.f32 v12, v8  }
0x15f: {  	v30 =	vld.idx.msk [tilespmem:v27+s26+$0x0], $0xffff;
	v19 =	vtrunc.f32 v17;
	v12 =	vadd.f32 v29, v14;
	v14 =	vadd.f32 v21, v22  }
0x160: {  	v10 =	vld.idx.msk [tilespmem:v20+s26+$0x0], $0xffff;
	v11 =	vadd.f32 v11, v15;
	v8 =	vadd.f32 v8, v18;
	v18 =	vcvt.f32.s32 v19  }
0x161: {  	v15 =	vld.idx.msk [tilespmem:v20+s28+$0x0], $0xffff;
	v20 =	vmul.f32 v25, v2;
	v22 =	vmul.f32 v28, v3;
	v9 =	vsub.f32 v14, v12  }
0x162: {  	v21 =	vld.idx.msk [tilespmem:v23+s26+$0x0], $0xffff;
	v14 =	vcvt.f32.s32 v26;
	v8 =	vsub.f32 v8, v11;
	v28 =	vadd.s32 $0x1, v18  }
0x163: {  	v19 =	vld.idx.msk [tilespmem:v23+s28+$0x0], $0xffff;
	v25 =	vshll.u32 v18, $0x4;
	v32 =	vtrunc.f32 v22;
	vm11 =	vlt.s32 v28, v4  }
0x164: {  	s25 =	simm.s32 $0x9270;
	v23 =	vld.idx.msk [tilespmem:v24+s26+$0x0], $0xffff;
	v18 =	vcvt.s32.f32 v18;
	v29 =	vadd.s32 v14, v25;
	v28 =	vsel vm11, v28, v4  }
0x165: {  	v31 =	vld [tilespmem:s25+$0x0];
	v32 =	vcvt.f32.s32 v32;
	v26 =	vadd.s32 $0x1, v14;
	v28 =	vshll.u32 v28, $0x4  }
0x166: {  	v24 =	vld.idx.msk [tilespmem:v24+s28+$0x0], $0xffff;
	v9 =	vmul.f32 v9, v7;
	vm10 =	vlt.s32 v26, v5;
	v34 =	vadd.s32 v14, v28  }
0x167: {  	s21 =	simm.s32 $0x8270;
	v7 =	vmul.f32 v8, v7;
	v18 =	vsub.f32 v17, v18;
	v8 =	vsel vm10, v26, v5;
	v26 =	vld.idx.msk [tilespmem:v27+s28+$0x0], $0xffff  }
0x168: {  	v19 =	vsub.f32 v19, v15;
	v33 =	vadd.f32 v9, v12;
	v12 =	vld [tilespmem:s21+$0x0];
	v25 =	vadd.s32 v25, v8  }
0x169: {  	v23 =	vsub.f32 v23, v30;
	v27 =	vtrunc.f32 v20;
	v8 =	vadd.s32 v8, v28;
	v28 =	vld.idx.msk [tilespmem:v29+s26+$0x0], $0xffff  }
0x16a: {  	v35 =	vadd.f32 v7, v11;
	v9 =	vsub.f32 v21, v10;
	v27 =	vcvt.f32.s32 v27;
	v21 =	vld.idx.msk [tilespmem:v29+s28+$0x0], $0xffff  }
0x16b: {  	v11 =	vadd.s32 $0x1, v32;
	v19 =	vmul.f32 v19, v13;
	v23 =	vmul.f32 v13, v23;
	v38 =	vld.idx.msk [tilespmem:v34+s26+$0x0], $0xffff  }
0x16c: {  	vm13 =	vlt.s32 v11, v5;
	v37 =	vmul.f32 v9, v13;
	v29 =	vcvt.s32.f32 v32;
	v34 =	vld.idx.msk [tilespmem:v34+s28+$0x0], $0xffff  }
0x16d: {  	v11 =	vsel vm13, v11, v5;
	v7 =	vadd.s32 $0x1, v27;
	v19 =	vadd.f32 v19, v15;
	v36 =	vld.idx.msk [tilespmem:v25+s26+$0x0], $0xffff  }
0x16e: {  	vm12 =	vlt.s32 v7, v4;
	v24 =	vsub.f32 v24, v26;
	v9 =	vsub.f32 v22, v29;
	v25 =	vld.idx.msk [tilespmem:v25+s28+$0x0], $0xffff  }
0x16f: {  	v29 =	vadd.f32 v37, v10;
	v10 =	vcvt.s32.f32 v27;
	v27 =	vshll.u32 v27, $0x4;
	v22 =	vld.idx.msk [tilespmem:v8+s26+$0x0], $0xffff  }
0x170: {  	v15 =	vadd.f32 v23, v30;
	v7 =	vsel vm12, v7, v4;
	v59 =	vadd.s32 v32, v27;
	v39 =	vld.idx.msk [tilespmem:v8+s28+$0x0], $0xffff  }
0x171: {  	v8 =	vcvt.s32.f32 v14;
	v13 =	vmul.f32 v24, v13;
	v24 =	vshll.u32 v7, $0x4  }
0x172: {  	v27 =	vadd.s32 v27, v11;
	v7 =	vsub.f32 v20, v10;
	v32 =	vadd.s32 v32, v24  }
0x173: {  	v20 =	vadd.s32 v11, v24;
	v16 =	vsub.f32 v16, v8;
	v10 =	vadd.f32 v13, v26  }
0x174: {  	v8 =	vmul.f32 v12, v2;
	v12 =	vsub.f32 v36, v28;
	v13 =	vsub.f32 v22, v38  }
0x175: {  	v11 =	vmul.f32 v31, v3;
	v23 =	vsub.f32 v25, v21;
	v24 =	vsub.f32 v39, v34  }
0x176: {  	v14 =	vsub.f32 v29, v15;
	v26 =	vld [tilespmem:s21+$0xFFFFFFF0];
	v12 =	vmul.f32 v16, v12;
	v25 =	vmul.f32 v13, v16  }
0x177: {  	v29 =	vld [tilespmem:s25+$0xFFFFFFF0];
	v13 =	vsub.f32 v19, v10;
	v19 =	vmul.f32 v23, v16;
	v23 =	vmul.f32 v24, v16  }
0x178: {  	v30 =	vadd.f32 v12, v28;
	v24 =	vadd.f32 v25, v38  }
0x179: {  	v22 =	vtrunc.f32 v11;
	v16 =	vld.idx.msk [tilespmem:v32+s26+$0x0], $0xffff;
	v31 =	vadd.f32 v19, v21;
	v23 =	vadd.f32 v23, v34  }
0x17a: {  	v17 =	vld.idx.msk [tilespmem:v32+s28+$0x0], $0xffff;
	v12 =	vtrunc.f32 v8;
	v19 =	vcvt.f32.s32 v22;
	v24 =	vsub.f32 v24, v30  }
0x17b: {  	s11 =	simm.s32 $0xA230;
	v25 =	vld.idx.msk [tilespmem:v20+s26+$0x0], $0xffff;
	v21 =	vmul.f32 v26, v2;
	v12 =	vcvt.f32.s32 v12;
	v28 =	vsub.f32 v23, v31  }
0x17c: {  	s20 =	simm.s32 $0xB230;
	[tilespmem:s11+$0x0] =	vst v33;
	v22 =	vld.idx.msk [tilespmem:v20+s28+$0x0], $0xffff;
	v26 =	vmul.f32 v29, v3;
	v61 =	vadd.s32 $0x1, v19;
	v20 =	vmul.f32 v24, v18  }
0x17d: {  	[tilespmem:s20+$0x0] =	vst v35;
	v23 =	vld.idx.msk [tilespmem:v27+s26+$0x0], $0xffff;
	v29 =	vshll.u32 v12, $0x4;
	v60 =	vadd.s32 $0x1, v12;
	v62 =	vmul.f32 v28, v18  }
0x17e: {  	vm14 =	vlt.s32 v61, v5;
	v24 =	vld.idx.msk [tilespmem:v27+s28+$0x0], $0xffff;
	v28 =	vadd.s32 v19, v29;
	v63 =	vadd.f32 v20, v30  }
0x17f: {  	s13 =	simm.s32 $0x9290;
	s8 =	simm.s32 $0xA250;
	s9 =	sshll.u32 s3, $0xD;
	v18 =	vld.idx.msk [tilespmem:v59+s26+$0x0], $0xffff;
	vm15 =	vlt.s32 v60, v4;
	v30 =	vsel vm14, v61, v5;
	v27 =	vadd.f32 v62, v31  }
0x180: {  	s14 =	simm.s32 $0xB250;
	s10 =	sor.u32 s7, s9;
	s25 =	simm.s32 $0x40;
	v32 =	vtrunc.f32 v21;
	v20 =	vld.idx.msk [tilespmem:v59+s28+$0x0], $0xffff;
	v31 =	vsel vm15, v60, v4;
	v29 =	vadd.s32 v29, v30;
	[tilespmem:s8+$0x0] =	vst v63  }
.LBB2_11:
0x181: {  	v33 =	vld [tilespmem:s13+$0x0];
	v32 =	vcvt.f32.s32 v32;
	v34 =	vtrunc.f32 v26;
	v31 =	vshll.u32 v31, $0x4;
	s21 =	sadd.s32 $0x20, s21;
	[tilespmem:s14+$0x0] =	vst v27  }
0x182: {  	v25 =	vsub.f32 v25, v16;
	v27 =	vld [tilespmem:s21+$0x0];
	v34 =	vcvt.f32.s32 v34;
	v35 =	vadd.s32 v19, v31  }
0x183: {  	v30 =	vadd.s32 v30, v31;
	v36 =	vadd.s32 $0x1, v32;
	v37 =	vshll.u32 v32, $0x4;
	v31 =	vld.idx.msk [tilespmem:v28+s26+$0x0], $0xffff  }
0x184: {  	vm0 =	vlt.s32 v36, v4;
	v38 =	vadd.s32 $0x1, v34;
	v39 =	vadd.s32 v34, v37;
	v28 =	vld.idx.msk [tilespmem:v28+s28+$0x0], $0xffff  }
0x185: {  	v40 =	vcvt.s32.f32 v34;
	v36 =	vsel vm0, v36, v4;
	vm0 =	vlt.s32 v38, v5;
	v41 =	vld.idx.msk [tilespmem:v29+s26+$0x0], $0xffff  }
0x186: {  	v22 =	vsub.f32 v22, v17;
	v38 =	vsel vm0, v38, v5;
	v36 =	vshll.u32 v36, $0x4;
	v29 =	vld.idx.msk [tilespmem:v29+s28+$0x0], $0xffff  }
0x187: {  	v37 =	vadd.s32 v37, v38;
	v34 =	vadd.s32 v34, v36;
	v36 =	vadd.s32 v38, v36;
	v38 =	vld.idx.msk [tilespmem:v35+s26+$0x0], $0xffff  }
0x188: {  	v23 =	vsub.f32 v23, v18;
	v24 =	vsub.f32 v24, v20;
	v25 =	vmul.f32 v25, v9;
	v42 =	vld.idx.msk [tilespmem:v30+s26+$0x0], $0xffff  }
0x189: {  	v32 =	vcvt.s32.f32 v32;
	v22 =	vmul.f32 v22, v9;
	v26 =	vsub.f32 v26, v40;
	v35 =	vld.idx.msk [tilespmem:v35+s28+$0x0], $0xffff  }
0x18a: {  	v23 =	vmul.f32 v9, v23;
	v40 =	vadd.f32 v25, v16;
	v16 =	vmul.f32 v24, v9;
	v30 =	vld.idx.msk [tilespmem:v30+s28+$0x0], $0xffff  }
0x18b: {  	v14 =	vmul.f32 v14, v6;
	v21 =	vsub.f32 v21, v32;
	v24 =	vadd.f32 v22, v17;
	v9 =	vmovc v26;
	v43 =	vld [tilespmem:s21+$0xFFFFFFF0]  }
0x18c: {  	v17 =	vcvt.s32.f32 v19;
	v19 =	vadd.f32 v23, v18;
	v32 =	vadd.f32 v16, v20;
	v26 =	vld [tilespmem:s13+$0xFFFFFFF0]  }
0x18d: {  	v15 =	vadd.f32 v14, v15;
	v18 =	vmul.f32 v13, v6;
	v6 =	vmovc v7;
	v7 =	vmov v21;
	v16 =	vld.idx.msk [tilespmem:v34+s26+$0x0], $0xffff  }
0x18e: {  	v20 =	vsub.f32 v11, v17;
	v11 =	vmul.f32 v33, v3;
	v14 =	vsub.f32 v40, v19;
	v25 =	vld.idx.msk [tilespmem:v36+s26+$0x0], $0xffff  }
0x18f: {  	v21 =	vmul.f32 v27, v2;
	v13 =	vsub.f32 v41, v31;
	v27 =	vsub.f32 v42, v38;
	v17 =	vld.idx.msk [tilespmem:v34+s28+$0x0], $0xffff  }
0x190: {  	v33 =	vtrunc.f32 v11;
	v29 =	vsub.f32 v29, v28;
	v30 =	vsub.f32 v30, v35;
	v22 =	vld.idx.msk [tilespmem:v36+s28+$0x0], $0xffff;
	[tilespmem:s11+$0xFFFFFFF0] =	vst v15;
	s11 =	smov.u32 s8  }
0x191: {  	v27 =	vmul.f32 v27, v20;
	v36 =	vmul.f32 v20, v13;
	v13 =	vsub.f32 v24, v32;
	v23 =	vld.idx.msk [tilespmem:v37+s26+$0x0], $0xffff  }
0x192: {  	s25 =	sadd.s32 $0x20, s25;
	v29 =	vmul.f32 v29, v20;
	v30 =	vmul.f32 v30, v20;
	v24 =	vld.idx.msk [tilespmem:v37+s28+$0x0], $0xffff;
	v37 =	vadd.f32 v18, v10  }
0x193: {  	p2 =	slt.u32 s25, $0xFE0;
	v34 =	vcvt.s32.f32 v12;
	v15 =	vmovc v19;
	v27 =	vadd.f32 v27, v38;
	v31 =	vadd.f32 v36, v31;
	v18 =	vld.idx.msk [tilespmem:v39+s26+$0x0], $0xffff  }
0x194: {  	v12 =	vtrunc.f32 v21;
	v29 =	vadd.f32 v29, v28;
	v28 =	vadd.f32 v30, v35;
	v20 =	vld.idx.msk [tilespmem:v39+s28+$0x0], $0xffff;
	[tilespmem:s20+$0xFFFFFFF0] =	vst v37;
	s20 =	smov.u32 s14  }
0x195: {  	v12 =	vcvt.f32.s32 v12;
	v10 =	vmovc v32;
	v30 =	vsub.f32 v8, v34;
	v8 =	vmovc v21;
	v27 =	vsub.f32 v27, v31  }
0x196: {  	v19 =	vcvt.f32.s32 v33;
	v21 =	vmul.f32 v43, v2;
	v28 =	vsub.f32 v28, v29  }
.Ltmp7:
0x197: {  	v26 =	vmul.f32 v26, v3;
	v33 =	vshll.u32 v12, $0x4;
	v27 =	vmul.f32 v27, v30;
	(pc) =	sbr.rel @p2 .LBB2_11-.Ltmp7, $4  }
0x198: {  	v32 =	vadd.s32 $0x1, v19;
	v34 =	vadd.s32 $0x1, v12;
	v35 =	vmul.f32 v28, v30  }
0x199: {  	vm0 =	vlt.s32 v32, v5;
	v28 =	vadd.s32 v19, v33;
	v36 =	vadd.f32 v27, v31  }
0x19a: {  	s8 =	sadd.s32 $0x20, s8;
	vm1 =	vlt.s32 v34, v4;
	v30 =	vsel vm0, v32, v5;
	v27 =	vadd.f32 v35, v29  }
0x19b: {  	s13 =	sadd.s32 $0x20, s13;
	s14 =	sadd.s32 $0x20, s14;
	v32 =	vtrunc.f32 v21;
	v31 =	vsel vm1, v34, v4;
	v29 =	vadd.s32 v33, v30;
	[tilespmem:s8+$0x0] =	vst v36  }
0x19c: {  	_ =	sdelay $0x1  }
0x19d: {  	v32 =	vcvt.f32.s32 v32;
	v31 =	vshll.u32 v31, $0x4  }
0x19e: {  	v33 =	vtrunc.f32 v26;
	v25 =	vsub.f32 v25, v16;
	v34 =	vadd.s32 v19, v31  }
0x19f: {  	v37 =	vld.idx.msk [tilespmem:v29+s26+$0x0], $0xffff;
	v33 =	vcvt.f32.s32 v33;
	v30 =	vadd.s32 v30, v31;
	v35 =	vadd.s32 $0x1, v32  }
0x1a0: {  	v29 =	vld.idx.msk [tilespmem:v29+s28+$0x0], $0xffff;
	v22 =	vsub.f32 v22, v17;
	v23 =	vsub.f32 v23, v18;
	vm0 =	vlt.s32 v35, v4  }
0x1a1: {  	v31 =	vld.idx.msk [tilespmem:v28+s26+$0x0], $0xffff;
	v38 =	vshll.u32 v32, $0x4;
	v36 =	vadd.s32 $0x1, v33;
	v35 =	vsel vm0, v35, v4  }
0x1a2: {  	v28 =	vld.idx.msk [tilespmem:v28+s28+$0x0], $0xffff;
	v40 =	vadd.s32 v33, v38;
	vm6 =	vlt.s32 v36, v5;
	v35 =	vshll.u32 v35, $0x4  }
0x1a3: {  	v14 =	vmul.f32 v14, v6;
	v36 =	vsel vm6, v36, v5;
	v39 =	vadd.s32 v33, v35;
	v41 =	vld.idx.msk [tilespmem:v34+s26+$0x0], $0xffff  }
0x1a4: {  	v6 =	vmul.f32 v13, v6;
	v19 =	vcvt.s32.f32 v19;
	v35 =	vadd.s32 v36, v35;
	v47 =	vld.idx.msk [tilespmem:v30+s26+$0x0], $0xffff  }
0x1a5: {  	v25 =	vmul.f32 v25, v9;
	v32 =	vcvt.s32.f32 v32;
	v34 =	vld.idx.msk [tilespmem:v34+s28+$0x0], $0xffff  }
0x1a6: {  	v24 =	vsub.f32 v24, v20;
	v22 =	vmul.f32 v22, v9;
	v23 =	vmul.f32 v9, v23;
	v30 =	vld.idx.msk [tilespmem:v30+s28+$0x0], $0xffff  }
0x1a7: {  	v14 =	vadd.f32 v14, v15;
	v6 =	vadd.f32 v6, v10;
	v36 =	vadd.s32 v38, v36;
	v48 =	vld.idx.msk [tilespmem:v40+s26+$0x0], $0xffff  }
0x1a8: {  	v9 =	vmul.f32 v24, v9;
	v11 =	vsub.f32 v11, v19;
	v16 =	vadd.f32 v25, v16;
	v24 =	vld.idx.msk [tilespmem:v39+s26+$0x0], $0xffff  }
0x1a9: {  	v21 =	vsub.f32 v21, v32;
	v17 =	vadd.f32 v22, v17;
	v22 =	vld.idx.msk [tilespmem:v35+s26+$0x0], $0xffff  }
0x1aa: {  	v18 =	vadd.f32 v23, v18;
	v9 =	vadd.f32 v9, v20;
	v20 =	vld.idx.msk [tilespmem:v39+s28+$0x0], $0xffff  }
0x1ab: {  	v10 =	vcvt.s32.f32 v12;
	v19 =	vsub.f32 v37, v31;
	v13 =	vsub.f32 v29, v28;
	v15 =	vld.idx.msk [tilespmem:v35+s28+$0x0], $0xffff  }
0x1ac: {  	v33 =	vcvt.s32.f32 v33;
	v23 =	vsub.f32 v47, v41;
	v25 =	vld.idx.msk [tilespmem:v36+s26+$0x0], $0xffff;
	v29 =	vsub.f32 v30, v34  }
0x1ad: {  	v8 =	vsub.f32 v8, v10;
	v19 =	vmul.f32 v11, v19;
	v13 =	vmul.f32 v13, v11;
	v30 =	vld.idx.msk [tilespmem:v36+s28+$0x0], $0xffff  }
0x1ae: {  	v16 =	vsub.f32 v16, v18;
	v23 =	vmul.f32 v23, v11;
	v11 =	vmul.f32 v29, v11;
	v29 =	vld.idx.msk [tilespmem:v40+s28+$0x0], $0xffff  }
0x1af: {  	v17 =	vsub.f32 v17, v9;
	v26 =	vsub.f32 v26, v33  }
0x1b0: {  	v12 =	vadd.f32 v19, v31;
	v13 =	vadd.f32 v13, v28  }
0x1b1: {  	v19 =	vadd.f32 v23, v41;
	v11 =	vadd.f32 v11, v34  }
0x1b2: {  	v10 =	vsub.f32 v22, v24;
	v22 =	vsub.f32 v25, v48  }
0x1b3: {  	v15 =	vsub.f32 v15, v20;
	v23 =	vsub.f32 v30, v29  }
0x1b4: {  	v19 =	vsub.f32 v19, v12;
	v10 =	vmul.f32 v10, v26;
	v22 =	vmul.f32 v26, v22  }
0x1b5: {  	v11 =	vsub.f32 v11, v13;
	v15 =	vmul.f32 v15, v26;
	v23 =	vmul.f32 v23, v26  }
0x1b6: {  	v19 =	vmul.f32 v19, v8;
	v10 =	vadd.f32 v10, v24;
	v22 =	vadd.f32 v22, v48  }
0x1b7: {  	[tilespmem:s14+$0x0] =	vst v27;
	v8 =	vmul.f32 v11, v8;
	v11 =	vadd.f32 v15, v20;
	v15 =	vadd.f32 v23, v29  }
0x1b8: {  	[tilespmem:s11+$0xFFFFFFF0] =	vst v14;
	v14 =	vmul.f32 v16, v7;
	v12 =	vadd.f32 v19, v12;
	v10 =	vsub.f32 v10, v22  }
0x1b9: {  	s21 =	sadd.s32 $0x20, s8;
	[tilespmem:s20+$0xFFFFFFF0] =	vst v6;
	v7 =	vmul.f32 v17, v7;
	v6 =	vadd.f32 v8, v13;
	v8 =	vsub.f32 v11, v15  }
0x1ba: {  	s13 =	sadd.s32 $0x20, s14;
	[tilespmem:s21+$0x0] =	vst v12;
	v11 =	vadd.f32 v14, v18;
	v10 =	vmul.f32 v10, v21  }
0x1bb: {  	[tilespmem:s13+$0x0] =	vst v6;
	v6 =	vadd.f32 v7, v9;
	v7 =	vmul.f32 v8, v21  }
0x1bc: {  	[tilespmem:s8+$0xFFFFFFF0] =	vst v11;
	v8 =	vadd.f32 v10, v22  }
0x1bd: {  	[tilespmem:s14+$0xFFFFFFF0] =	vst v6;
	v6 =	vadd.f32 v7, v15  }
0x1be: {  	s10 =	sshrl.u32 s10, $0x3;
	p2 =	seq.s32 s3, $0xF;
	[tilespmem:s21+$0xFFFFFFF0] =	vst v8  }
0x1bf: {  	s25 =	sadd.s32 s6, s10;
	s8 =	sadd.s32 @!p2 s9, s17;
	[tilespmem:s13+$0xFFFFFFF0] =	vst v6  }
0x1c0: {  	[hbm4b:s25+s2] =	stream.linear.scatter [tilespmem:s30], [sflag:$0x3], $0x1000, $0x38;
	[tilespmem:$0x10220] =	vst v63  }
0x1c1: {  	s11 =	sadd.s32 s10, s19;
	s8 =	sshrl.u32 @!p2 s8, $0x3  }
0x1c2: {  	[hbm4b:s11+s2] =	stream.linear.scatter [tilespmem:s31], [sflag:$0x3], $0x1000, $0x38;
	[tilespmem:$0x10220] =	vst v63  }
0x1c3: {  	s8 =	sadd.s32 @!p2 s1, s8;
	s13 =	simm.s32 @!p2 $0x8220;
	s11 =	simm.s32 @!p2 $0x0  }
0x1c4: {  	[tilespmem:s13], [sflag:$0x1] =	stream.linear.gather @!p2 [hbm4b:s8+s11], $0x1000, $0x38;
	[tilespmem:$0x10220] =	vst v63  }
0x1c5: {  	s8 =	sadd.s32 @!p2 $0x8000, s8;
	s13 =	simm.s32 @!p2 $0x9220  }
0x1c6: {  	[tilespmem:s13], [sflag:$0x1] =	stream.linear.gather @!p2 [hbm4b:s8+s11], $0x1000, $0x38;
	[tilespmem:$0x10220] =	vst v63  }
0x1c7: {  	_ =	swait.ge [sflag:s0], $0x1000  }
0x1c8: {  	[sflag:s0] =	ssyncset.done $0x0  }
0x1c9: {  	[sflag:s0] =	ssyncadd.s32 $0xFFFFF000  }
0x1ca: {  	_ =	swait.ge [sflag:s0], $0x1000  }
0x1cb: {  	[sflag:s0] =	ssyncset.done $0x0  }
0x1cc: {  	s8 =	simm.s32 @!p1 $0x4;
	[sflag:s0] =	ssyncadd.s32 $0xFFFFF000  }
0x1cd: {  	_ =	swait.ge @!p1 [sflag:s8], $0x1000  }
0x1ce: {  	[sflag:s8] =	ssyncset.done @!p1 $0x0  }
0x1cf: {  	[sflag:s8] =	ssyncadd.s32 @!p1 $0xFFFFF000  }
0x1d0: {  	_ =	swait.ge @!p1 [sflag:s8], $0x1000  }
0x1d1: {  	[sflag:s8] =	ssyncset.done @!p1 $0x0  }
0x1d2: {  	s13 =	simm.s32 $0xD230;
	[sflag:s8] =	ssyncadd.s32 @!p1 $0xFFFFF000  }
0x1d3: {  	s14 =	simm.s32 $0xC230;
	v6 =	vld [tilespmem:s13+$0x0]  }
0x1d4: {  	v7 =	vld [tilespmem:s14+$0x0];
	_ =	sdelay $0x4  }
0x1d5: {  	v6 =	vmul.f32 v6, v3;
	v7 =	vmul.f32 v7, v2;
	_ =	sdelay $0x1  }
0x1d6: {  	v8 =	vtrunc.f32 v6;
	v9 =	vtrunc.f32 v7  }
0x1d7: {  	v9 =	vcvt.f32.s32 v9;
	v8 =	vcvt.f32.s32 v8;
	_ =	sdelay $0x1  }
0x1d8: {  	v10 =	vld [tilespmem:s14+$0xFFFFFFF0];
	v11 =	vshll.u32 v9, $0x4;
	v12 =	vadd.s32 $0x1, v8  }
0x1d9: {  	v13 =	vld [tilespmem:s13+$0xFFFFFFF0];
	v14 =	vadd.s32 $0x1, v9;
	vm7 =	vlt.s32 v12, v5;
	v15 =	vadd.s32 v8, v11  }
0x1da: {  	vm1 =	vlt.s32 v14, v4;
	v12 =	vsel vm7, v12, v5  }
0x1db: {  	s20 =	simm.s32 $0xD250;
	v14 =	vsel vm1, v14, v4;
	v11 =	vadd.s32 v11, v12  }
0x1dc: {  	s21 =	simm.s32 $0xC250;
	v16 =	vld [tilespmem:s20+$0x0];
	v14 =	vshll.u32 v14, $0x4  }
0x1dd: {  	v17 =	vld [tilespmem:s21+$0x0];
	v18 =	vadd.s32 v8, v14  }
0x1de: {  	v10 =	vmul.f32 v10, v2;
	v13 =	vmul.f32 v13, v3;
	v12 =	vadd.s32 v12, v14;
	v14 =	vld.idx.msk [tilespmem:v15+s26+$0x0], $0xffff  }
0x1df: {  	v15 =	vld.idx.msk [tilespmem:v15+s28+$0x0], $0xffff  }
0x1e0: {  	v19 =	vtrunc.f32 v10;
	v20 =	vtrunc.f32 v13;
	v21 =	vld.idx.msk [tilespmem:v11+s26+$0x0], $0xffff  }
0x1e1: {  	v19 =	vcvt.f32.s32 v19;
	v20 =	vcvt.f32.s32 v20;
	v11 =	vld.idx.msk [tilespmem:v11+s28+$0x0], $0xffff  }
0x1e2: {  	v16 =	vmul.f32 v16, v3;
	v17 =	vmul.f32 v17, v2;
	v22 =	vld.idx.msk [tilespmem:v18+s26+$0x0], $0xffff  }
0x1e3: {  	v23 =	vadd.s32 $0x1, v19;
	v24 =	vshll.u32 v19, $0x4;
	v28 =	vcvt.s32.f32 v20;
	v26 =	vld.idx.msk [tilespmem:v12+s26+$0x0], $0xffff  }
0x1e4: {  	v25 =	vadd.s32 $0x1, v20;
	v19 =	vcvt.s32.f32 v19;
	v9 =	vcvt.s32.f32 v9;
	v18 =	vld.idx.msk [tilespmem:v18+s28+$0x0], $0xffff  }
0x1e5: {  	vm8 =	vlt.s32 v23, v4;
	v27 =	vadd.s32 v20, v24;
	vm9 =	vlt.s32 v25, v5;
	v12 =	vld.idx.msk [tilespmem:v12+s28+$0x0], $0xffff  }
0x1e6: {  	v23 =	vsel vm8, v23, v4;
	v25 =	vsel vm9, v25, v5;
	v8 =	vcvt.s32.f32 v8  }
0x1e7: {  	v13 =	vsub.f32 v13, v28;
	v23 =	vshll.u32 v23, $0x4;
	v24 =	vadd.s32 v24, v25  }
0x1e8: {  	v20 =	vadd.s32 v20, v23;
	v8 =	vsub.f32 v6, v8;
	v6 =	vsub.f32 v21, v14  }
0x1e9: {  	v23 =	vadd.s32 v25, v23;
	v25 =	vld [tilespmem:s21+$0xFFFFFFF0];
	v11 =	vsub.f32 v11, v15;
	v21 =	vsub.f32 v26, v22  }
0x1ea: {  	v28 =	vld [tilespmem:s20+$0xFFFFFFF0];
	v26 =	vtrunc.f32 v16;
	v12 =	vsub.f32 v12, v18;
	v29 =	vmul.f32 v8, v6  }
0x1eb: {  	v7 =	vsub.f32 v7, v9;
	v11 =	vmul.f32 v11, v8;
	v21 =	vmul.f32 v21, v8  }
0x1ec: {  	v6 =	vsub.f32 v10, v19;
	v8 =	vmul.f32 v12, v8;
	v12 =	vadd.f32 v29, v14  }
0x1ed: {  	v10 =	vld.idx.msk [tilespmem:v20+s26+$0x0], $0xffff;
	v19 =	vtrunc.f32 v17;
	v11 =	vadd.f32 v11, v15;
	v14 =	vadd.f32 v21, v22  }
0x1ee: {  	s21 =	simm.s32 $0xC270;
	v15 =	vld.idx.msk [tilespmem:v20+s28+$0x0], $0xffff;
	v20 =	vmul.f32 v25, v2;
	v8 =	vadd.f32 v8, v18;
	v18 =	vcvt.f32.s32 v19  }
0x1ef: {  	v49 =	vld [tilespmem:s21+$0x0];
	v22 =	vmul.f32 v28, v3;
	v9 =	vsub.f32 v14, v12;
	v14 =	vcvt.f32.s32 v26  }
0x1f0: {  	v30 =	vld.idx.msk [tilespmem:v27+s26+$0x0], $0xffff;
	v8 =	vsub.f32 v8, v11;
	v25 =	vshll.u32 v18, $0x4;
	v28 =	vadd.s32 $0x1, v18  }
0x1f1: {  	v19 =	vld.idx.msk [tilespmem:v23+s28+$0x0], $0xffff;
	v31 =	vtrunc.f32 v22;
	v18 =	vcvt.s32.f32 v18;
	v26 =	vadd.s32 $0x1, v14  }
0x1f2: {  	v21 =	vld.idx.msk [tilespmem:v23+s26+$0x0], $0xffff;
	v9 =	vmul.f32 v9, v7;
	v29 =	vadd.s32 v14, v25;
	vm10 =	vlt.s32 v26, v5  }
0x1f3: {  	v23 =	vld.idx.msk [tilespmem:v24+s26+$0x0], $0xffff;
	vm11 =	vlt.s32 v28, v4;
	v7 =	vmul.f32 v8, v7;
	v8 =	vsel vm10, v26, v5  }
0x1f4: {  	v26 =	vld.idx.msk [tilespmem:v27+s28+$0x0], $0xffff;
	v27 =	vadd.f32 v9, v12;
	v9 =	vsel vm11, v28, v4;
	v12 =	vadd.s32 v25, v8  }
0x1f5: {  	s25 =	simm.s32 $0xD270;
	v24 =	vld.idx.msk [tilespmem:v24+s28+$0x0], $0xffff;
	v31 =	vcvt.f32.s32 v31;
	v9 =	vshll.u32 v9, $0x4  }
0x1f6: {  	v18 =	vsub.f32 v17, v18;
	v19 =	vsub.f32 v19, v15;
	v28 =	vld [tilespmem:s25+$0x0];
	v50 =	vadd.s32 v14, v9  }
0x1f7: {  	v51 =	vadd.f32 v7, v11;
	v7 =	vsub.f32 v21, v10;
	v8 =	vadd.s32 v8, v9;
	v21 =	vld.idx.msk [tilespmem:v29+s26+$0x0], $0xffff  }
0x1f8: {  	v52 =	vadd.s32 $0x1, v31;
	v55 =	vcvt.s32.f32 v31;
	v25 =	vtrunc.f32 v20;
	v29 =	vld.idx.msk [tilespmem:v29+s28+$0x0], $0xffff  }
0x1f9: {  	vm13 =	vlt.s32 v52, v5;
	v19 =	vmul.f32 v19, v13;
	v25 =	vcvt.f32.s32 v25;
	v54 =	vld.idx.msk [tilespmem:v12+s26+$0x0], $0xffff  }
0x1fa: {  	v23 =	vsub.f32 v23, v30;
	v35 =	vsel vm13, v52, v5;
	v7 =	vmul.f32 v7, v13;
	v12 =	vld.idx.msk [tilespmem:v12+s28+$0x0], $0xffff  }
0x1fb: {  	v19 =	vadd.f32 v19, v15;
	v9 =	vadd.s32 $0x1, v25;
	v11 =	vshll.u32 v25, $0x4;
	v57 =	vld.idx.msk [tilespmem:v50+s26+$0x0], $0xffff  }
0x1fc: {  	vm12 =	vlt.s32 v9, v4;
	v53 =	vadd.s32 v31, v11;
	v56 =	vadd.s32 v11, v35;
	v58 =	vld.idx.msk [tilespmem:v8+s26+$0x0], $0xffff  }
0x1fd: {  	v24 =	vsub.f32 v24, v26;
	v11 =	vsub.f32 v22, v55;
	v9 =	vsel vm12, v9, v4;
	v22 =	vld.idx.msk [tilespmem:v50+s28+$0x0], $0xffff  }
0x1fe: {  	v25 =	vcvt.s32.f32 v25;
	v9 =	vshll.u32 v9, $0x4;
	v59 =	vld.idx.msk [tilespmem:v8+s28+$0x0], $0xffff;
	v8 =	vmul.f32 v13, v23  }
0x1ff: {  	v23 =	vadd.f32 v7, v10;
	v10 =	vmul.f32 v24, v13;
	v13 =	vcvt.s32.f32 v14  }
0x200: {  	v7 =	vsub.f32 v20, v25;
	v31 =	vadd.s32 v31, v9;
	v15 =	vadd.f32 v8, v30  }
0x201: {  	v20 =	vadd.s32 v35, v9;
	v9 =	vadd.f32 v10, v26;
	v16 =	vsub.f32 v16, v13  }
0x202: {  	v10 =	vmul.f32 v28, v3;
	v13 =	vsub.f32 v54, v21;
	v24 =	vsub.f32 v58, v57  }
0x203: {  	v8 =	vmul.f32 v49, v2;
	v12 =	vsub.f32 v12, v29;
	v25 =	vsub.f32 v59, v22  }
0x204: {  	v30 =	vld [tilespmem:s25+$0xFFFFFFF0];
	v14 =	vsub.f32 v23, v15;
	v23 =	vmul.f32 v16, v13;
	v24 =	vmul.f32 v24, v16  }
0x205: {  	v28 =	vld [tilespmem:s21+$0xFFFFFFF0];
	v13 =	vsub.f32 v19, v9;
	v12 =	vmul.f32 v12, v16;
	v19 =	vmul.f32 v25, v16  }
0x206: {  	v60 =	vadd.f32 v23, v21;
	v21 =	vadd.f32 v24, v57  }
0x207: {  	v17 =	vld.idx.msk [tilespmem:v31+s28+$0x0], $0xffff;
	v23 =	vtrunc.f32 v8;
	v29 =	vadd.f32 v12, v29;
	v22 =	vadd.f32 v19, v22  }
0x208: {  	v26 =	vtrunc.f32 v10;
	v16 =	vld.idx.msk [tilespmem:v31+s26+$0x0], $0xffff;
	v12 =	vcvt.f32.s32 v23;
	v23 =	vsub.f32 v21, v60  }
0x209: {  	s11 =	simm.s32 $0xE230;
	v25 =	vld.idx.msk [tilespmem:v20+s26+$0x0], $0xffff;
	v19 =	vcvt.f32.s32 v26;
	v26 =	vmul.f32 v30, v3;
	v24 =	vsub.f32 v22, v29  }
0x20a: {  	s20 =	simm.s32 $0xF230;
	[tilespmem:s11+$0x0] =	vst v27;
	v21 =	vmul.f32 v28, v2;
	v22 =	vld.idx.msk [tilespmem:v20+s28+$0x0], $0xffff;
	v61 =	vshll.u32 v12, $0x4;
	v20 =	vmul.f32 v23, v18  }
0x20b: {  	[tilespmem:s20+$0x0] =	vst v51;
	v31 =	vadd.s32 $0x1, v12;
	v27 =	vadd.s32 $0x1, v19;
	v23 =	vld.idx.msk [tilespmem:v56+s26+$0x0], $0xffff;
	v62 =	vmul.f32 v24, v18  }
0x20c: {  	vm14 =	vlt.s32 v27, v5;
	v28 =	vadd.s32 v19, v61;
	v24 =	vld.idx.msk [tilespmem:v56+s28+$0x0], $0xffff;
	v63 =	vadd.f32 v20, v60  }
0x20d: {  	s8 =	simm.s32 $0xE250;
	vm15 =	vlt.s32 v31, v4;
	v18 =	vld.idx.msk [tilespmem:v53+s26+$0x0], $0xffff;
	v30 =	vsel vm14, v27, v5;
	v27 =	vadd.f32 v62, v29  }
0x20e: {  	s13 =	simm.s32 $0xD290;
	s14 =	simm.s32 $0xF250;
	s25 =	simm.s32 $0x40;
	v32 =	vtrunc.f32 v21;
	v31 =	vsel vm15, v31, v4;
	v20 =	vld.idx.msk [tilespmem:v53+s28+$0x0], $0xffff;
	v29 =	vadd.s32 v61, v30;
	[tilespmem:s8+$0x0] =	vst v63  }
.LBB2_13:
0x20f: {  	v33 =	vld [tilespmem:s13+$0x0];
	v32 =	vcvt.f32.s32 v32;
	v34 =	vtrunc.f32 v26;
	v31 =	vshll.u32 v31, $0x4;
	s21 =	sadd.s32 $0x20, s21;
	[tilespmem:s14+$0x0] =	vst v27  }
0x210: {  	v25 =	vsub.f32 v25, v16;
	v27 =	vld [tilespmem:s21+$0x0];
	v34 =	vcvt.f32.s32 v34;
	v35 =	vadd.s32 v19, v31  }
0x211: {  	v30 =	vadd.s32 v30, v31;
	v36 =	vadd.s32 $0x1, v32;
	v37 =	vshll.u32 v32, $0x4;
	v31 =	vld.idx.msk [tilespmem:v28+s26+$0x0], $0xffff  }
0x212: {  	vm0 =	vlt.s32 v36, v4;
	v38 =	vadd.s32 $0x1, v34;
	v39 =	vadd.s32 v34, v37;
	v28 =	vld.idx.msk [tilespmem:v28+s28+$0x0], $0xffff  }
0x213: {  	v40 =	vcvt.s32.f32 v34;
	v36 =	vsel vm0, v36, v4;
	vm0 =	vlt.s32 v38, v5;
	v41 =	vld.idx.msk [tilespmem:v29+s26+$0x0], $0xffff  }
0x214: {  	v22 =	vsub.f32 v22, v17;
	v38 =	vsel vm0, v38, v5;
	v36 =	vshll.u32 v36, $0x4;
	v29 =	vld.idx.msk [tilespmem:v29+s28+$0x0], $0xffff  }
0x215: {  	v37 =	vadd.s32 v37, v38;
	v34 =	vadd.s32 v34, v36;
	v36 =	vadd.s32 v38, v36;
	v38 =	vld.idx.msk [tilespmem:v35+s26+$0x0], $0xffff  }
0x216: {  	v23 =	vsub.f32 v23, v18;
	v24 =	vsub.f32 v24, v20;
	v25 =	vmul.f32 v25, v11;
	v42 =	vld.idx.msk [tilespmem:v30+s26+$0x0], $0xffff  }
0x217: {  	v32 =	vcvt.s32.f32 v32;
	v22 =	vmul.f32 v22, v11;
	v26 =	vsub.f32 v26, v40;
	v35 =	vld.idx.msk [tilespmem:v35+s28+$0x0], $0xffff  }
0x218: {  	v23 =	vmul.f32 v11, v23;
	v40 =	vadd.f32 v25, v16;
	v16 =	vmul.f32 v24, v11;
	v30 =	vld.idx.msk [tilespmem:v30+s28+$0x0], $0xffff  }
0x219: {  	v14 =	vmul.f32 v14, v6;
	v21 =	vsub.f32 v21, v32;
	v24 =	vadd.f32 v22, v17;
	v11 =	vmovc v26;
	v43 =	vld [tilespmem:s21+$0xFFFFFFF0]  }
0x21a: {  	v17 =	vcvt.s32.f32 v19;
	v19 =	vadd.f32 v23, v18;
	v32 =	vadd.f32 v16, v20;
	v26 =	vld [tilespmem:s13+$0xFFFFFFF0]  }
0x21b: {  	v15 =	vadd.f32 v14, v15;
	v18 =	vmul.f32 v13, v6;
	v6 =	vmovc v7;
	v7 =	vmov v21;
	v16 =	vld.idx.msk [tilespmem:v34+s26+$0x0], $0xffff  }
0x21c: {  	v20 =	vsub.f32 v10, v17;
	v10 =	vmul.f32 v33, v3;
	v14 =	vsub.f32 v40, v19;
	v25 =	vld.idx.msk [tilespmem:v36+s26+$0x0], $0xffff  }
0x21d: {  	v21 =	vmul.f32 v27, v2;
	v13 =	vsub.f32 v41, v31;
	v27 =	vsub.f32 v42, v38;
	v17 =	vld.idx.msk [tilespmem:v34+s28+$0x0], $0xffff  }
0x21e: {  	v33 =	vtrunc.f32 v10;
	v29 =	vsub.f32 v29, v28;
	v30 =	vsub.f32 v30, v35;
	v22 =	vld.idx.msk [tilespmem:v36+s28+$0x0], $0xffff;
	[tilespmem:s11+$0xFFFFFFF0] =	vst v15;
	s11 =	smov.u32 s8  }
0x21f: {  	v27 =	vmul.f32 v27, v20;
	v36 =	vmul.f32 v20, v13;
	v13 =	vsub.f32 v24, v32;
	v23 =	vld.idx.msk [tilespmem:v37+s26+$0x0], $0xffff  }
0x220: {  	s25 =	sadd.s32 $0x20, s25;
	v29 =	vmul.f32 v29, v20;
	v30 =	vmul.f32 v30, v20;
	v24 =	vld.idx.msk [tilespmem:v37+s28+$0x0], $0xffff;
	v37 =	vadd.f32 v18, v9  }
0x221: {  	p1 =	slt.u32 s25, $0xFE0;
	v34 =	vcvt.s32.f32 v12;
	v15 =	vmovc v19;
	v27 =	vadd.f32 v27, v38;
	v31 =	vadd.f32 v36, v31;
	v18 =	vld.idx.msk [tilespmem:v39+s26+$0x0], $0xffff  }
0x222: {  	v12 =	vtrunc.f32 v21;
	v29 =	vadd.f32 v29, v28;
	v28 =	vadd.f32 v30, v35;
	v20 =	vld.idx.msk [tilespmem:v39+s28+$0x0], $0xffff;
	[tilespmem:s20+$0xFFFFFFF0] =	vst v37;
	s20 =	smov.u32 s14  }
0x223: {  	v12 =	vcvt.f32.s32 v12;
	v9 =	vmovc v32;
	v30 =	vsub.f32 v8, v34;
	v8 =	vmovc v21;
	v27 =	vsub.f32 v27, v31  }
0x224: {  	v19 =	vcvt.f32.s32 v33;
	v21 =	vmul.f32 v43, v2;
	v28 =	vsub.f32 v28, v29  }
.Ltmp8:
0x225: {  	v26 =	vmul.f32 v26, v3;
	v33 =	vshll.u32 v12, $0x4;
	v27 =	vmul.f32 v27, v30;
	(pc) =	sbr.rel @p1 .LBB2_13-.Ltmp8, $4  }
0x226: {  	v32 =	vadd.s32 $0x1, v19;
	v34 =	vadd.s32 $0x1, v12;
	v35 =	vmul.f32 v28, v30  }
0x227: {  	vm0 =	vlt.s32 v32, v5;
	v28 =	vadd.s32 v19, v33;
	v36 =	vadd.f32 v27, v31  }
0x228: {  	s8 =	sadd.s32 $0x20, s8;
	vm1 =	vlt.s32 v34, v4;
	v30 =	vsel vm0, v32, v5;
	v27 =	vadd.f32 v35, v29  }
0x229: {  	s13 =	sadd.s32 $0x20, s13;
	s14 =	sadd.s32 $0x20, s14;
	v32 =	vtrunc.f32 v21;
	v31 =	vsel vm1, v34, v4;
	v29 =	vadd.s32 v33, v30;
	[tilespmem:s8+$0x0] =	vst v36  }
0x22a: {  	_ =	sdelay $0x1  }
0x22b: {  	v31 =	vshll.u32 v31, $0x4  }
0x22c: {  	v32 =	vcvt.f32.s32 v32;
	v33 =	vtrunc.f32 v26;
	v34 =	vadd.s32 v19, v31  }
0x22d: {  	v54 =	vld.idx.msk [tilespmem:v28+s26+$0x0], $0xffff;
	v25 =	vsub.f32 v25, v16;
	v22 =	vsub.f32 v22, v17;
	v30 =	vadd.s32 v30, v31  }
0x22e: {  	v28 =	vld.idx.msk [tilespmem:v28+s28+$0x0], $0xffff;
	v23 =	vsub.f32 v23, v18;
	v33 =	vcvt.f32.s32 v33;
	v35 =	vadd.s32 $0x1, v32  }
0x22f: {  	v37 =	vld.idx.msk [tilespmem:v29+s26+$0x0], $0xffff;
	v14 =	vmul.f32 v14, v6;
	v38 =	vshll.u32 v32, $0x4;
	vm0 =	vlt.s32 v35, v4  }
0x230: {  	v55 =	vld.idx.msk [tilespmem:v29+s28+$0x0], $0xffff;
	v36 =	vadd.s32 $0x1, v33;
	v40 =	vadd.s32 v33, v38;
	v35 =	vsel vm0, v35, v4  }
0x231: {  	v61 =	vcvt.s32.f32 v19;
	vm15 =	vlt.s32 v36, v5;
	v35 =	vshll.u32 v35, $0x4;
	v41 =	vld.idx.msk [tilespmem:v34+s26+$0x0], $0xffff  }
0x232: {  	v6 =	vmul.f32 v13, v6;
	v36 =	vsel vm15, v36, v5;
	v39 =	vadd.s32 v33, v35;
	v56 =	vld.idx.msk [tilespmem:v30+s26+$0x0], $0xffff  }
0x233: {  	v52 =	vcvt.s32.f32 v12;
	v25 =	vmul.f32 v25, v11;
	v35 =	vadd.s32 v36, v35;
	v34 =	vld.idx.msk [tilespmem:v34+s28+$0x0], $0xffff  }
0x234: {  	v24 =	vsub.f32 v24, v20;
	v32 =	vcvt.s32.f32 v32;
	v22 =	vmul.f32 v22, v11;
	v30 =	vld.idx.msk [tilespmem:v30+s28+$0x0], $0xffff  }
0x235: {  	v23 =	vmul.f32 v11, v23;
	v14 =	vadd.f32 v14, v15;
	v10 =	vsub.f32 v10, v61;
	v50 =	vld.idx.msk [tilespmem:v40+s26+$0x0], $0xffff  }
0x236: {  	v6 =	vadd.f32 v6, v9;
	v8 =	vsub.f32 v8, v52;
	v36 =	vadd.s32 v38, v36;
	v51 =	vld.idx.msk [tilespmem:v40+s28+$0x0], $0xffff  }
0x237: {  	v58 =	vmul.f32 v24, v11;
	v57 =	vadd.f32 v25, v16;
	v21 =	vsub.f32 v21, v32;
	v59 =	vld.idx.msk [tilespmem:v39+s26+$0x0], $0xffff  }
0x238: {  	v60 =	vadd.f32 v22, v17;
	v63 =	vadd.f32 v23, v18;
	v62 =	vld.idx.msk [tilespmem:v35+s26+$0x0], $0xffff  }
0x239: {  	v11 =	vadd.f32 v58, v20;
	v44 =	vsub.f32 v37, v54;
	v42 =	vld.idx.msk [tilespmem:v39+s28+$0x0], $0xffff  }
0x23a: {  	v47 =	vsub.f32 v55, v28;
	v16 =	vsub.f32 v57, v63;
	v43 =	vld.idx.msk [tilespmem:v35+s28+$0x0], $0xffff  }
0x23b: {  	v33 =	vcvt.s32.f32 v33;
	v45 =	vsub.f32 v56, v41;
	v46 =	vld.idx.msk [tilespmem:v36+s26+$0x0], $0xffff;
	v48 =	vsub.f32 v30, v34  }
0x23c: {  	v17 =	vsub.f32 v60, v11;
	v19 =	vmul.f32 v10, v44;
	v13 =	vmul.f32 v47, v10;
	v49 =	vld.idx.msk [tilespmem:v36+s28+$0x0], $0xffff  }
0x23d: {  	v26 =	vsub.f32 v26, v33;
	v23 =	vmul.f32 v45, v10;
	v10 =	vmul.f32 v48, v10  }
0x23e: {  	v53 =	vadd.f32 v19, v54;
	v13 =	vadd.f32 v13, v28  }
0x23f: {  	v54 =	vadd.f32 v23, v41;
	v10 =	vadd.f32 v10, v34  }
0x240: {  	v55 =	vsub.f32 v62, v59;
	v56 =	vsub.f32 v46, v50  }
0x241: {  	v15 =	vsub.f32 v43, v42;
	v57 =	vsub.f32 v49, v51  }
0x242: {  	v19 =	vsub.f32 v54, v53;
	v9 =	vmul.f32 v55, v26;
	v22 =	vmul.f32 v26, v56  }
0x243: {  	v10 =	vsub.f32 v10, v13;
	v15 =	vmul.f32 v15, v26;
	v23 =	vmul.f32 v57, v26  }
0x244: {  	v19 =	vmul.f32 v19, v8;
	v9 =	vadd.f32 v9, v59;
	v22 =	vadd.f32 v22, v50  }
0x245: {  	[tilespmem:s14+$0x0] =	vst v27;
	v8 =	vmul.f32 v10, v8;
	v58 =	vadd.f32 v15, v42;
	v59 =	vadd.f32 v23, v51  }
0x246: {  	[tilespmem:s11+$0xFFFFFFF0] =	vst v14;
	v60 =	vmul.f32 v16, v7;
	v12 =	vadd.f32 v19, v53;
	v9 =	vsub.f32 v9, v22  }
0x247: {  	s21 =	sadd.s32 $0x20, s8;
	[tilespmem:s20+$0xFFFFFFF0] =	vst v6;
	v7 =	vmul.f32 v17, v7;
	v6 =	vadd.f32 v8, v13;
	v61 =	vsub.f32 v58, v59  }
0x248: {  	s13 =	sadd.s32 $0x20, s14;
	v62 =	vadd.f32 v60, v63;
	[tilespmem:s21+$0x0] =	vst v12;
	v9 =	vmul.f32 v9, v21  }
0x249: {  	[tilespmem:s13+$0x0] =	vst v6;
	v6 =	vadd.f32 v7, v11;
	v7 =	vmul.f32 v61, v21  }
0x24a: {  	[tilespmem:s8+$0xFFFFFFF0] =	vst v62;
	v63 =	vadd.f32 v9, v22  }
0x24b: {  	[tilespmem:s14+$0xFFFFFFF0] =	vst v6;
	v6 =	vadd.f32 v7, v59  }
.Ltmp9:
0x24c: {  	s25 =	sor.u32 $0x200, s10;
	[tilespmem:s21+$0xFFFFFFF0] =	vst v63;
	(pc) =	sbr.rel @p2 .LBB2_16-.Ltmp9, $4  }
0x24d: {  	s10 =	sadd.s32 s6, s25;
	[tilespmem:s13+$0xFFFFFFF0] =	vst v6  }
0x24e: {  	[hbm4b:s10+s2] =	stream.linear.scatter [tilespmem:s5], [sflag:$0x4], $0x1000, $0x38;
	[tilespmem:$0x10220] =	vst v63  }
0x24f: {  	s8 =	sadd.s32 s25, s19  }
0x250: {  	[hbm4b:s8+s2] =	stream.linear.scatter [tilespmem:s4], [sflag:$0x4], $0x1000, $0x38;
	[tilespmem:$0x10220] =	vst v63  }
0x251: {  	s8 =	sadd.s32 s9, s18  }
.Ltmp10:
0x252: {  	s8 =	sshrl.u32 s8, $0x3;
	(pc) =	sbr.rel .LBB2_10-.Ltmp10, $4  }
0x253: {  	s8 =	sadd.s32 s1, s8  }
0x254: {  	[tilespmem:s23], [sflag:$0x2] =	stream.linear.gather [hbm4b:s8+s2], $0x1000, $0x38;
	[tilespmem:$0x10220] =	vst v63  }
0x255: {  	s3 =	sadd.s32 $0x1, s3;
	s8 =	sadd.s32 $0x8000, s8  }
0x256: {  	[tilespmem:s24], [sflag:$0x2] =	stream.linear.gather [hbm4b:s8+s2], $0x1000, $0x38;
	[tilespmem:$0x10220] =	vst v63  }
.LBB2_17:
0x257: {  	_ =	sfence.sel $0x180000  }
0x258: {  	[bflag:$0x0] =	sbarrier.arrive $0xFFFF  }
0x259: {  	_ =	strace $0x90000047  }
0x25a: {  	s0 =	stileid.u32;
	[bflag:$0x2] =	sbarrier.arrive $0xFFFF  }
0x25b: {  	p0 =	sne.s32 s0, $0x0;
	s0 =	rddreg [dreg:$0x2]  }
0x25c: {  	s0 =	sadd.s32 @!p0 $0x100000, s0  }
0x25d: {  	[sflag:s0] =	ssyncadd.tile.s32 @!p0 $0x1;
	_ =	shalt  }
.Lfunc_end2:
_tile_overlayer_lowered:
.L_overlay_start_2:
0x25e: {  	(tag) =	ssettag $0x2  }
0x25f: {  	s0 =	rddreg [dreg:$0x0];
	s2 =	stileid.u32  }
0x260: {  	s1 =	rddreg [dreg:$0x1];
	p0 =	sne.s32 s2, $0x0  }
0x261: {  	s3 =	rddreg [dreg:$0x2];
	[bflag:$0x3] =	sbarrier.arrive $0xFFFF;
	s2 =	simm.s32 @!p0 $0x1C05  }
0x262: {  	[timem:s3], [sflag:s2] =	dma.local @!p0 [hbm:s0], s1  }
0x263: {  	s0 =	simm.s32 @!p0 $0x5  }
0x264: {  	_ =	swait.ge @!p0 [sflag:s0], s1  }
0x265: {  	s1 =	ssub.s32 @!p0 $0x0, s1;
	[sflag:s0] =	ssyncset.done @!p0 $0x0  }
0x266: {  	[sflag:s0] =	ssyncadd.s32 @!p0 s1  }
0x267: {  	[bflag:$0x3] =	sbarrier.arrive $0xFFFF  }
0x268: {  	_ =	shalt  }

</sc_bundles>
